<compile_context>
chip_gen: v7x
topology: tpu7x:2x2x1
jax: 0.10.2.dev20260603
libtpu: 0.0.44.dev20260713+nightly
codegen_flags: <defaults>
</compile_context>

<pallas_src>
import functools

import jax
import jax.numpy as jnp
from jax import lax
from jax.experimental import pallas as pl
from jax.experimental.pallas import tpu as pltpu
from jax.experimental.pallas import tpu_sc as plsc

NC = 2
NS = 16
L = 16
NW = NC * NS
CHUNK = 80


def _sc_mesh():
    return plsc.VectorSubcoreMesh(core_axis_name="c", subcore_axis_name="s")


_SC_PARAMS = pltpu.CompilerParams(
    needs_layout_passes=False, use_tc_tiling_on_sc=False)


def _deg_partials(dst_i32, n_nodes):
    e_pad = dst_i32.shape[0]
    epw = e_pad // NW
    n_h = ((n_nodes + 1 + L - 1) // L) * L

    @functools.partial(
        pl.kernel,
        out_type=jax.ShapeDtypeStruct((NW, n_nodes), jnp.float32),
        mesh=_sc_mesh(),
        compiler_params=_SC_PARAMS,
        scratch_types=[
            pltpu.VMEM((epw,), jnp.int32),
            pltpu.VMEM((n_h,), jnp.float32),
        ],
    )
    def deg_kernel(dst_hbm, out_hbm, dst_v, histo_v):
        wid = lax.axis_index("s") * NC + lax.axis_index("c")
        pltpu.sync_copy(dst_hbm.at[pl.ds(wid * epw, epw)], dst_v)

        zero = jnp.zeros((L,), jnp.float32)

        def zbody(i, _):
            histo_v[pl.ds(i * L, L)] = zero
            return 0

        lax.fori_loop(0, n_h // L, zbody, 0)

        ones = jnp.ones((L,), jnp.float32)

        def body(i, _):
            idx = dst_v[pl.ds(i * L, L)]
            plsc.addupdate_scatter(histo_v, [idx], ones)
            return 0

        lax.fori_loop(0, epw // L, body, 0)
        pltpu.sync_copy(histo_v.at[pl.ds(0, n_nodes)], out_hbm.at[wid])

    return deg_kernel(dst_i32)


def _matmul_scale(x, W, degp, bn):
    n, in_ch = x.shape
    out_ch = W.shape[0]
    grid = n // bn

    def body(x_ref, w_ref, degp_ref, h2_ref):
        deg = jnp.sum(degp_ref[...], axis=1) + 1.0
        dis = lax.rsqrt(deg)
        h = lax.dot_general(
            x_ref[...], w_ref[...], (((1,), (1,)), ((), ())),
            preferred_element_type=jnp.float32)
        h2_ref[...] = h * dis[:, None]

    return pl.pallas_call(
        body,
        grid=(grid,),
        in_specs=[
            pl.BlockSpec((bn, in_ch), lambda i: (i, 0)),
            pl.BlockSpec((out_ch, in_ch), lambda i: (0, 0)),
            pl.BlockSpec((bn, NW), lambda i: (i, 0)),
        ],
        out_specs=pl.BlockSpec((bn, out_ch), lambda i: (i, 0)),
        out_shape=jax.ShapeDtypeStruct((n + 8, out_ch), jnp.float32),
    )(x, W, degp)


def _edge_aggregate(src_i32, dst_i32, h2_pad, n_nodes):
    e_pad = src_i32.shape[0]
    epw = e_pad // NW
    n_chunks = epw // CHUNK
    out_ch = h2_pad.shape[1]
    rows_per_tile = n_nodes // NS
    zb = 1
    for d in range(1, 33):
        if rows_per_tile % d == 0:
            zb = d

    @functools.partial(
        pl.kernel,
        out_type=jax.ShapeDtypeStruct((NC, n_nodes, out_ch), jnp.float32),
        mesh=_sc_mesh(),
        compiler_params=_SC_PARAMS,
        scratch_types=[
            pltpu.VMEM((CHUNK,), jnp.int32),
            pltpu.VMEM((CHUNK,), jnp.int32),
            pltpu.VMEM((CHUNK,), jnp.int32),
            pltpu.VMEM((CHUNK,), jnp.int32),
            pltpu.VMEM((CHUNK, out_ch), jnp.float32),
            pltpu.VMEM((CHUNK, out_ch), jnp.float32),
            pltpu.VMEM((zb, out_ch), jnp.float32),
            pltpu.VMEM_SHARED((n_nodes + 8, out_ch), jnp.float32),
            pltpu.VMEM_SHARED((NS, 2, epw), jnp.int32),
            pltpu.SemaphoreType.DMA,
            pltpu.SemaphoreType.DMA,
        ],
    )
    def agg_kernel(src_hbm, dst_hbm, h2_hbm, out_hbm,
                   is0, is1, id0, id1, rows0_v, rows1_v, zero_v, acc_sh,
                   idx_sh, sg0, sg1):
        c = lax.axis_index("c")
        s = lax.axis_index("s")
        wid = s * NC + c
        base = wid * epw
        rows = (rows0_v, rows1_v)
        isrc = (is0, is1)
        idst = (id0, id1)
        sg = (sg0, sg1)

        di0 = pltpu.async_copy(src_hbm.at[pl.ds(base, epw)], idx_sh.at[s, 0], sg0)
        di1 = pltpu.async_copy(dst_hbm.at[pl.ds(base, epw)], idx_sh.at[s, 1], sg1)

        def fetch_idx(k, slot):
            off = k * CHUNK
            pltpu.sync_copy(idx_sh.at[s, 0, pl.ds(off, CHUNK)], isrc[slot])
            pltpu.sync_copy(idx_sh.at[s, 1, pl.ds(off, CHUNK)], idst[slot])

        zero16 = jnp.zeros((L,), jnp.float32)

        def zzero(i, _):
            for j in range(out_ch // L):
                zero_v[i, pl.ds(j * L, L)] = zero16
            return 0

        lax.fori_loop(0, zb, zzero, 0)

        def zfill(i, _):
            pltpu.sync_copy(zero_v, acc_sh.at[pl.ds(s * rows_per_tile + i * zb, zb)])
            return 0

        lax.fori_loop(0, rows_per_tile // zb, zfill, 0)
        di0.wait()
        di1.wait()
        plsc.subcore_barrier()

        fetch_idx(0, 0)
        pltpu.async_copy(h2_hbm.at[isrc[0]], rows0_v, sg0)

        def steps(r, _):
            for u in range(2):
                k = r * 2 + u
                b = u
                nb = 1 - u
                fetch_idx(k + 1, nb)
                pltpu.async_copy(h2_hbm.at[isrc[nb]], rows[nb], sg[nb])
                pltpu.make_async_copy(
                    h2_hbm.at[isrc[b]], rows[b], sg[b]).wait()
                pltpu.sync_copy(rows[b], acc_sh.at[idst[b]], add=True)
            return 0

        lax.fori_loop(0, (n_chunks - 1) // 2, steps, 0)
        pltpu.make_async_copy(h2_hbm.at[isrc[0]], rows[0], sg[0]).wait()
        pltpu.sync_copy(rows[0], acc_sh.at[idst[0]], add=True)
        plsc.subcore_barrier()

        pltpu.sync_copy(
            acc_sh.at[pl.ds(s * rows_per_tile, rows_per_tile)],
            out_hbm.at[c, pl.ds(s * rows_per_tile, rows_per_tile)])

    return agg_kernel(src_i32, dst_i32, h2_pad)


def _combine(p, h2, degp, b, bn):
    n = degp.shape[0]
    out_ch = h2.shape[1]
    grid = n // bn

    def body(p_ref, h2_ref, degp_ref, b_ref, out_ref):
        deg = jnp.sum(degp_ref[...], axis=1) + 1.0
        dis = lax.rsqrt(deg)
        tot = p_ref[0] + p_ref[1] + h2_ref[...]
        out_ref[...] = tot * dis[:, None] + b_ref[...]

    return pl.pallas_call(
        body,
        grid=(grid,),
        in_specs=[
            pl.BlockSpec((NC, bn, out_ch), lambda i: (0, i, 0)),
            pl.BlockSpec((bn, out_ch), lambda i: (i, 0)),
            pl.BlockSpec((bn, NW), lambda i: (i, 0)),
            pl.BlockSpec((1, out_ch), lambda i: (0, 0)),
        ],
        out_specs=pl.BlockSpec((bn, out_ch), lambda i: (i, 0)),
        out_shape=jax.ShapeDtypeStruct((n, out_ch), jnp.float32),
    )(p, h2, degp, b)


def kernel(x, edge_index, W, b):
    n, _ = x.shape
    out_ch = W.shape[0]
    e = edge_index.shape[1]

    src = edge_index[0].astype(jnp.int32)
    dst = edge_index[1].astype(jnp.int32)

    unit = NW * CHUNK
    e_pad = ((e + unit - 1) // unit) * unit
    if (e_pad // unit) % 2 == 0:
        e_pad += unit
    if e_pad != e:
        pad = jnp.full((e_pad - e,), n, jnp.int32)
        src = jnp.concatenate([src, pad])
        dst = jnp.concatenate([dst, pad])

    degp = _deg_partials(dst, n).T

    bn = 2000 if n % 2000 == 0 else (1000 if n % 1000 == 0 else 8)
    h2 = _matmul_scale(x, W, degp, bn)

    p = _edge_aggregate(src, dst, h2, n)

    return _combine(p, h2, degp, b.reshape(1, out_ch), bn)

# --- scband reference (transcript-rebuilt; emitter-appended) ---
"""Pipeline reference for scband-linear-encoder-64785286693394 (READ-ONLY COPY).

The authoritative reference and input builder live on the scoring server;
editing this copy changes nothing except your own understanding.
"""

import jax, jax.numpy as jnp
import numpy as np

N_NODES = 10000
N_EDGES = 320000
IN_CH = 128
OUT_CH = 128


def setup_inputs(seed: int = 0) -> dict:
    key = jax.random.key(seed)
    k1, k2, k3, k4 = jax.random.split(key, 4)
    x = jax.random.normal(k1, (N_NODES, IN_CH), dtype=jnp.float32)
    edge_index = jax.random.randint(k2, (2, N_EDGES), 0, N_NODES, dtype=jnp.int64)
    # GCNConv linear weight (PyG: lin = Linear(in, out, bias=False), separate bias param)
    W = jax.random.normal(k3, (OUT_CH, IN_CH), dtype=jnp.float32) * (1.0 / np.sqrt(IN_CH))
    b = jnp.zeros((OUT_CH,), dtype=jnp.float32)
    return {"x": x, "edge_index": edge_index, "W": W, "b": b}


def reference(x, edge_index, W, b):
    # Faithful GCNConv (torch_geometric) forward:
    #   1. linear transform: h = x @ W^T
    #   2. add self-loops
    #   3. symmetric normalization: norm = deg^-1/2[src] * deg^-1/2[dst]
    #   4. message passing: out[dst] += norm * h[src]
    #   5. add bias
    N = x.shape[0]
    src = edge_index[0]
    dst = edge_index[1]
    loop = jnp.arange(N, dtype=edge_index.dtype)
    src2 = jnp.concatenate([src, loop])
    dst2 = jnp.concatenate([dst, loop])
    # degree computed on destination (col) with unit edge weights
    deg = jnp.zeros((N,), dtype=x.dtype).at[dst2].add(1.0)
    deg_inv_sqrt = jnp.where(deg > 0, jax.lax.rsqrt(deg), 0.0)
    norm = deg_inv_sqrt[src2] * deg_inv_sqrt[dst2]
    h = x @ W.T
    msg = h[src2] * norm[:, None]
    out = jnp.zeros((N, h.shape[1]), dtype=x.dtype).at[dst2].add(msg)
    return out + b

if __name__ == "__main__":
    import jax
    _d = setup_inputs()
    print(jax.jit(kernel)(*tuple(_d.values())))

</pallas_src>

<mosaic_0001>
#map = affine_map<(d0, d1) -> (0)>
#map1 = affine_map<(d0, d1) -> (0, 0)>
#map2 = affine_map<(d0, d1) -> (0, 0, 0)>
module attributes {stable_mosaic.version = 14 : i64} {
  func.func @agg_kernel(%arg0: i32, %arg1: i32, %arg2: memref<320000xi32, #tpu.memory_space<hbm>>, %arg3: memref<320000xi32, #tpu.memory_space<hbm>>, %arg4: memref<10008x128xf32, #tpu.memory_space<hbm>>, %arg5: memref<2x10000x128xf32, #tpu.memory_space<hbm>>, %arg6: memref<80xi32, #tpu.memory_space<vmem>>, %arg7: memref<80xi32, #tpu.memory_space<vmem>>, %arg8: memref<80xi32, #tpu.memory_space<vmem>>, %arg9: memref<80xi32, #tpu.memory_space<vmem>>, %arg10: memref<80x128xf32, #tpu.memory_space<vmem>>, %arg11: memref<80x128xf32, #tpu.memory_space<vmem>>, %arg12: memref<25x128xf32, #tpu.memory_space<vmem>>, %arg13: memref<10008x128xf32, #tpu.memory_space<vmem_shared>>, %arg14: memref<16x2x10000xi32, #tpu.memory_space<vmem_shared>>, %arg15: memref<!tpu.dma_semaphore, #tpu.memory_space<semaphore_mem>>, %arg16: memref<!tpu.dma_semaphore, #tpu.memory_space<semaphore_mem>>) attributes {dimension_semantics = [#tpu.dimension_semantics<core_parallel>, #tpu.dimension_semantics<subcore_parallel>], iteration_bounds = array<i64: 2, 16>, scalar_prefetch = 0 : i64, scratch_operands = 11 : i64, tpu.core_type = #tpu.core_type<sc_vector_subcore>, window_params = [{transform_indices = #map}, {transform_indices = #map}, {transform_indices = #map1}, {transform_indices = #map2}]} {
    %mul3A = arith.constant 2 : i32
    %mul3A_0 = arith.muli %arg1, %mul3A : i32
    %add3A = arith.addi %mul3A_0, %arg0 : i32
    %mul3A_1 = arith.constant 10000 : i32
    %mul3A_2 = arith.muli %add3A, %mul3A_1 : i32
    %dma_start3A = arith.constant 0 : i32
    %dma_start3A_3 = arith.constant 0 : i32
    %dma_start3A_4 = tpu.memref_slice %arg14[%arg1, %dma_start3A, %dma_start3A_3] : memref<16x2x10000xi32, #tpu.memory_space<vmem_shared>> -> memref<1x1x10000xi32, #tpu.memory_space<vmem_shared>>
    %dma_start3A_5 = tpu.memref_squeeze %dma_start3A_4 : memref<1x1x10000xi32, #tpu.memory_space<vmem_shared>> -> memref<10000xi32, #tpu.memory_space<vmem_shared>>
    %dma_start3A_6 = tpu.memref_slice %arg2[%mul3A_2] : memref<320000xi32, #tpu.memory_space<hbm>> -> memref<10000xi32, #tpu.memory_space<hbm>>
    tpu.enqueue_dma source(%dma_start3A_6 : memref<10000xi32, #tpu.memory_space<hbm>>) target(%dma_start3A_5 : memref<10000xi32, #tpu.memory_space<vmem_shared>>) target_semaphore(%arg15 : memref<!tpu.dma_semaphore, #tpu.memory_space<semaphore_mem>>)
    %dma_start3A_7 = arith.constant 1 : i32
    %dma_start3A_8 = arith.constant 0 : i32
    %dma_start3A_9 = tpu.memref_slice %arg14[%arg1, %dma_start3A_7, %dma_start3A_8] : memref<16x2x10000xi32, #tpu.memory_space<vmem_shared>> -> memref<1x1x10000xi32, #tpu.memory_space<vmem_shared>>
    %dma_start3A_10 = tpu.memref_squeeze %dma_start3A_9 : memref<1x1x10000xi32, #tpu.memory_space<vmem_shared>> -> memref<10000xi32, #tpu.memory_space<vmem_shared>>
    %dma_start3A_11 = tpu.memref_slice %arg3[%mul3A_2] : memref<320000xi32, #tpu.memory_space<hbm>> -> memref<10000xi32, #tpu.memory_space<hbm>>
    tpu.enqueue_dma source(%dma_start3A_11 : memref<10000xi32, #tpu.memory_space<hbm>>) target(%dma_start3A_10 : memref<10000xi32, #tpu.memory_space<vmem_shared>>) target_semaphore(%arg16 : memref<!tpu.dma_semaphore, #tpu.memory_space<semaphore_mem>>)
    %broadcast_in_dim3A = arith.constant 0.000000e+00 : f32
    %broadcast_in_dim3A_12 = vector.broadcast %broadcast_in_dim3A : f32 to vector<16xf32>
    %scan3A = arith.constant 0 : i32
    %scan3A_13 = arith.constant 0 : i32
    %scan3A_14 = arith.constant 25 : i32
    %scan3A_15 = arith.addi %scan3A_13, %scan3A_14 : i32
    %scan3A_16 = arith.constant 1 : i32
    %scan3A_17 = scf.for %scan3A_54 = %scan3A_13 to %scan3A_15 step %scan3A_16 iter_args(%scan3A_55 = %scan3A) -> (i32)  : i32 {
      %swap3A = arith.index_cast %scan3A_54 : i32 to index
      %swap3A_56 = arith.constant 0 : index
      %swap3A_57 = tpu.vector_load %arg12[%swap3A, %swap3A_56] {strides = array<i32>} : memref<25x128xf32, #tpu.memory_space<vmem>>, vector<16xf32>,
      tpu.vector_store %arg12[%swap3A, %swap3A_56], %broadcast_in_dim3A_12 {strides = array<i32>} : memref<25x128xf32, #tpu.memory_space<vmem>>, vector<16xf32>,
      %swap3A_58 = arith.index_cast %scan3A_54 : i32 to index
      %swap3A_59 = arith.constant 16 : index
      %swap3A_60 = tpu.vector_load %arg12[%swap3A_58, %swap3A_59] {strides = array<i32>} : memref<25x128xf32, #tpu.memory_space<vmem>>, vector<16xf32>,
      tpu.vector_store %arg12[%swap3A_58, %swap3A_59], %broadcast_in_dim3A_12 {strides = array<i32>} : memref<25x128xf32, #tpu.memory_space<vmem>>, vector<16xf32>,
      %swap3A_61 = arith.index_cast %scan3A_54 : i32 to index
      %swap3A_62 = arith.constant 32 : index
      %swap3A_63 = tpu.vector_load %arg12[%swap3A_61, %swap3A_62] {strides = array<i32>} : memref<25x128xf32, #tpu.memory_space<vmem>>, vector<16xf32>,
      tpu.vector_store %arg12[%swap3A_61, %swap3A_62], %broadcast_in_dim3A_12 {strides = array<i32>} : memref<25x128xf32, #tpu.memory_space<vmem>>, vector<16xf32>,
      %swap3A_64 = arith.index_cast %scan3A_54 : i32 to index
      %swap3A_65 = arith.constant 48 : index
      %swap3A_66 = tpu.vector_load %arg12[%swap3A_64, %swap3A_65] {strides = array<i32>} : memref<25x128xf32, #tpu.memory_space<vmem>>, vector<16xf32>,
      tpu.vector_store %arg12[%swap3A_64, %swap3A_65], %broadcast_in_dim3A_12 {strides = array<i32>} : memref<25x128xf32, #tpu.memory_space<vmem>>, vector<16xf32>,
      %swap3A_67 = arith.index_cast %scan3A_54 : i32 to index
      %swap3A_68 = arith.constant 64 : index
      %swap3A_69 = tpu.vector_load %arg12[%swap3A_67, %swap3A_68] {strides = array<i32>} : memref<25x128xf32, #tpu.memory_space<vmem>>, vector<16xf32>,
      tpu.vector_store %arg12[%swap3A_67, %swap3A_68], %broadcast_in_dim3A_12 {strides = array<i32>} : memref<25x128xf32, #tpu.memory_space<vmem>>, vector<16xf32>,
      %swap3A_70 = arith.index_cast %scan3A_54 : i32 to index
      %swap3A_71 = arith.constant 80 : index
      %swap3A_72 = tpu.vector_load %arg12[%swap3A_70, %swap3A_71] {strides = array<i32>} : memref<25x128xf32, #tpu.memory_space<vmem>>, vector<16xf32>,
      tpu.vector_store %arg12[%swap3A_70, %swap3A_71], %broadcast_in_dim3A_12 {strides = array<i32>} : memref<25x128xf32, #tpu.memory_space<vmem>>, vector<16xf32>,
      %swap3A_73 = arith.index_cast %scan3A_54 : i32 to index
      %swap3A_74 = arith.constant 96 : index
      %swap3A_75 = tpu.vector_load %arg12[%swap3A_73, %swap3A_74] {strides = array<i32>} : memref<25x128xf32, #tpu.memory_space<vmem>>, vector<16xf32>,
      tpu.vector_store %arg12[%swap3A_73, %swap3A_74], %broadcast_in_dim3A_12 {strides = array<i32>} : memref<25x128xf32, #tpu.memory_space<vmem>>, vector<16xf32>,
      %swap3A_76 = arith.index_cast %scan3A_54 : i32 to index
      %swap3A_77 = arith.constant 112 : index
      %swap3A_78 = tpu.vector_load %arg12[%swap3A_76, %swap3A_77] {strides = array<i32>} : memref<25x128xf32, #tpu.memory_space<vmem>>, vector<16xf32>,
      tpu.vector_store %arg12[%swap3A_76, %swap3A_77], %broadcast_in_dim3A_12 {strides = array<i32>} : memref<25x128xf32, #tpu.memory_space<vmem>>, vector<16xf32>,
      %scan3A_79 = arith.constant 0 : i32
      scf.yield %scan3A_79 : i32
    }
    %scan3A_18 = arith.constant 25 : i32
    %scan3A_19 = arith.constant 0 : i32
    %scan3A_20 = arith.constant 0 : i32
    %scan3A_21 = arith.constant 25 : i32
    %scan3A_22 = arith.addi %scan3A_20, %scan3A_21 : i32
    %scan3A_23 = arith.constant 1 : i32
    %scan3A_24 = scf.for %scan3A_54 = %scan3A_20 to %scan3A_22 step %scan3A_23 iter_args(%scan3A_55 = %scan3A_19) -> (i32)  : i32 {
      %mul3A_56 = arith.constant 625 : i32
      %mul3A_57 = arith.muli %arg1, %mul3A_56 : i32
      %mul3A_58 = arith.constant 25 : i32
      %mul3A_59 = arith.muli %scan3A_54, %mul3A_58 : i32
      %add3A_60 = arith.addi %mul3A_57, %mul3A_59 : i32
      "tpu.region"() ({
        %run_scoped3A_62 = tpu.sem_alloc : memref<!tpu.dma_semaphore, #tpu.memory_space<semaphore_mem>>
        %dma_start3A_63 = arith.constant 0 : i32
        %dma_start3A_64 = tpu.memref_slice %arg13[%add3A_60, %dma_start3A_63] : memref<10008x128xf32, #tpu.memory_space<vmem_shared>> -> memref<25x128xf32, #tpu.memory_space<vmem_shared>>
        %dma_start3A_65 = arith.constant 0 : i32
        %dma_start3A_66 = tpu.memref_slice %arg13[%add3A_60, %dma_start3A_65] : memref<10008x128xf32, #tpu.memory_space<vmem_shared>> -> memref<25x128xf32, #tpu.memory_space<vmem_shared>>
        tpu.enqueue_dma source(%arg12 : memref<25x128xf32, #tpu.memory_space<vmem>>) target(%dma_start3A_66 : memref<25x128xf32, #tpu.memory_space<vmem_shared>>) target_semaphore(%run_scoped3A_62 : memref<!tpu.dma_semaphore, #tpu.memory_space<semaphore_mem>>)
        %dma_wait3A_67 = arith.constant 0 : i32
        %dma_wait3A_68 = tpu.memref_slice %arg13[%add3A_60, %dma_wait3A_67] : memref<10008x128xf32, #tpu.memory_space<vmem_shared>> -> memref<25x128xf32, #tpu.memory_space<vmem_shared>>
        %dma_wait3A_69 = arith.constant 0 : i32
        %dma_wait3A_70 = tpu.memref_slice %arg13[%add3A_60, %dma_wait3A_69] : memref<10008x128xf32, #tpu.memory_space<vmem_shared>> -> memref<25x128xf32, #tpu.memory_space<vmem_shared>>
        tpu.wait_dma2 semaphore(%run_scoped3A_62 : memref<!tpu.dma_semaphore, #tpu.memory_space<semaphore_mem>>) src(%arg12 : memref<25x128xf32, #tpu.memory_space<vmem>>) dst(%dma_wait3A_70 : memref<25x128xf32, #tpu.memory_space<vmem_shared>>)
        tpu.yield
      }) : () -> ()
      %scan3A_61 = arith.constant 0 : i32
      scf.yield %scan3A_61 : i32
    }
    %scan3A_25 = arith.constant 25 : i32
    %dma_wait3A = arith.constant 0 : i32
    %dma_wait3A_26 = arith.constant 0 : i32
    %dma_wait3A_27 = tpu.memref_slice %arg14[%arg1, %dma_wait3A, %dma_wait3A_26] : memref<16x2x10000xi32, #tpu.memory_space<vmem_shared>> -> memref<1x1x10000xi32, #tpu.memory_space<vmem_shared>>
    %dma_wait3A_28 = tpu.memref_squeeze %dma_wait3A_27 : memref<1x1x10000xi32, #tpu.memory_space<vmem_shared>> -> memref<10000xi32, #tpu.memory_space<vmem_shared>>
    %dma_wait3A_29 = tpu.memref_slice %arg2[%mul3A_2] : memref<320000xi32, #tpu.memory_space<hbm>> -> memref<10000xi32, #tpu.memory_space<hbm>>
    tpu.wait_dma2 semaphore(%arg15 : memref<!tpu.dma_semaphore, #tpu.memory_space<semaphore_mem>>) src(%dma_wait3A_29 : memref<10000xi32, #tpu.memory_space<hbm>>) dst(%dma_wait3A_28 : memref<10000xi32, #tpu.memory_space<vmem_shared>>)
    %dma_wait3A_30 = arith.constant 1 : i32
    %dma_wait3A_31 = arith.constant 0 : i32
    %dma_wait3A_32 = tpu.memref_slice %arg14[%arg1, %dma_wait3A_30, %dma_wait3A_31] : memref<16x2x10000xi32, #tpu.memory_space<vmem_shared>> -> memref<1x1x10000xi32, #tpu.memory_space<vmem_shared>>
    %dma_wait3A_33 = tpu.memref_squeeze %dma_wait3A_32 : memref<1x1x10000xi32, #tpu.memory_space<vmem_shared>> -> memref<10000xi32, #tpu.memory_space<vmem_shared>>
    %dma_wait3A_34 = tpu.memref_slice %arg3[%mul3A_2] : memref<320000xi32, #tpu.memory_space<hbm>> -> memref<10000xi32, #tpu.memory_space<hbm>>
    tpu.wait_dma2 semaphore(%arg16 : memref<!tpu.dma_semaphore, #tpu.memory_space<semaphore_mem>>) src(%dma_wait3A_34 : memref<10000xi32, #tpu.memory_space<hbm>>) dst(%dma_wait3A_33 : memref<10000xi32, #tpu.memory_space<vmem_shared>>)
    %barrier3A = arith.constant 0 : index
    tpu.barrier barrier_id(%barrier3A)
    %run_scoped3A = arith.constant 0 : i32
    "tpu.region"() ({
      %run_scoped3A_54 = tpu.sem_alloc : memref<!tpu.dma_semaphore, #tpu.memory_space<semaphore_mem>>
      %dma_start3A_55 = arith.constant 0 : i32
      %dma_start3A_56 = tpu.memref_slice %arg14[%arg1, %run_scoped3A, %dma_start3A_55] : memref<16x2x10000xi32, #tpu.memory_space<vmem_shared>> -> memref<1x1x80xi32, #tpu.memory_space<vmem_shared>>
      %dma_start3A_57 = tpu.memref_squeeze %dma_start3A_56 : memref<1x1x80xi32, #tpu.memory_space<vmem_shared>> -> memref<80xi32, #tpu.memory_space<vmem_shared>>
      %dma_start3A_58 = arith.constant 0 : i32
      %dma_start3A_59 = tpu.memref_slice %arg14[%arg1, %run_scoped3A, %dma_start3A_58] : memref<16x2x10000xi32, #tpu.memory_space<vmem_shared>> -> memref<1x1x80xi32, #tpu.memory_space<vmem_shared>>
      %dma_start3A_60 = tpu.memref_squeeze %dma_start3A_59 : memref<1x1x80xi32, #tpu.memory_space<vmem_shared>> -> memref<80xi32, #tpu.memory_space<vmem_shared>>
      tpu.enqueue_dma source(%dma_start3A_60 : memref<80xi32, #tpu.memory_space<vmem_shared>>) target(%arg6 : memref<80xi32, #tpu.memory_space<vmem>>) target_semaphore(%run_scoped3A_54 : memref<!tpu.dma_semaphore, #tpu.memory_space<semaphore_mem>>)
      %dma_wait3A_61 = arith.constant 0 : i32
      %dma_wait3A_62 = tpu.memref_slice %arg14[%arg1, %run_scoped3A, %dma_wait3A_61] : memref<16x2x10000xi32, #tpu.memory_space<vmem_shared>> -> memref<1x1x80xi32, #tpu.memory_space<vmem_shared>>
      %dma_wait3A_63 = tpu.memref_squeeze %dma_wait3A_62 : memref<1x1x80xi32, #tpu.memory_space<vmem_shared>> -> memref<80xi32, #tpu.memory_space<vmem_shared>>
      %dma_wait3A_64 = arith.constant 0 : i32
      %dma_wait3A_65 = tpu.memref_slice %arg14[%arg1, %run_scoped3A, %dma_wait3A_64] : memref<16x2x10000xi32, #tpu.memory_space<vmem_shared>> -> memref<1x1x80xi32, #tpu.memory_space<vmem_shared>>
      %dma_wait3A_66 = tpu.memref_squeeze %dma_wait3A_65 : memref<1x1x80xi32, #tpu.memory_space<vmem_shared>> -> memref<80xi32, #tpu.memory_space<vmem_shared>>
      tpu.wait_dma2 semaphore(%run_scoped3A_54 : memref<!tpu.dma_semaphore, #tpu.memory_space<semaphore_mem>>) src(%dma_wait3A_66 : memref<80xi32, #tpu.memory_space<vmem_shared>>) dst(%arg6 : memref<80xi32, #tpu.memory_space<vmem>>)
      tpu.yield
    }) : () -> ()
    %run_scoped3A_35 = arith.constant 1 : i32
    "tpu.region"() ({
      %run_scoped3A_54 = tpu.sem_alloc : memref<!tpu.dma_semaphore, #tpu.memory_space<semaphore_mem>>
      %dma_start3A_55 = arith.constant 0 : i32
      %dma_start3A_56 = tpu.memref_slice %arg14[%arg1, %run_scoped3A_35, %dma_start3A_55] : memref<16x2x10000xi32, #tpu.memory_space<vmem_shared>> -> memref<1x1x80xi32, #tpu.memory_space<vmem_shared>>
      %dma_start3A_57 = tpu.memref_squeeze %dma_start3A_56 : memref<1x1x80xi32, #tpu.memory_space<vmem_shared>> -> memref<80xi32, #tpu.memory_space<vmem_shared>>
      %dma_start3A_58 = arith.constant 0 : i32
      %dma_start3A_59 = tpu.memref_slice %arg14[%arg1, %run_scoped3A_35, %dma_start3A_58] : memref<16x2x10000xi32, #tpu.memory_space<vmem_shared>> -> memref<1x1x80xi32, #tpu.memory_space<vmem_shared>>
      %dma_start3A_60 = tpu.memref_squeeze %dma_start3A_59 : memref<1x1x80xi32, #tpu.memory_space<vmem_shared>> -> memref<80xi32, #tpu.memory_space<vmem_shared>>
      tpu.enqueue_dma source(%dma_start3A_60 : memref<80xi32, #tpu.memory_space<vmem_shared>>) target(%arg8 : memref<80xi32, #tpu.memory_space<vmem>>) target_semaphore(%run_scoped3A_54 : memref<!tpu.dma_semaphore, #tpu.memory_space<semaphore_mem>>)
      %dma_wait3A_61 = arith.constant 0 : i32
      %dma_wait3A_62 = tpu.memref_slice %arg14[%arg1, %run_scoped3A_35, %dma_wait3A_61] : memref<16x2x10000xi32, #tpu.memory_space<vmem_shared>> -> memref<1x1x80xi32, #tpu.memory_space<vmem_shared>>
      %dma_wait3A_63 = tpu.memref_squeeze %dma_wait3A_62 : memref<1x1x80xi32, #tpu.memory_space<vmem_shared>> -> memref<80xi32, #tpu.memory_space<vmem_shared>>
      %dma_wait3A_64 = arith.constant 0 : i32
      %dma_wait3A_65 = tpu.memref_slice %arg14[%arg1, %run_scoped3A_35, %dma_wait3A_64] : memref<16x2x10000xi32, #tpu.memory_space<vmem_shared>> -> memref<1x1x80xi32, #tpu.memory_space<vmem_shared>>
      %dma_wait3A_66 = tpu.memref_squeeze %dma_wait3A_65 : memref<1x1x80xi32, #tpu.memory_space<vmem_shared>> -> memref<80xi32, #tpu.memory_space<vmem_shared>>
      tpu.wait_dma2 semaphore(%run_scoped3A_54 : memref<!tpu.dma_semaphore, #tpu.memory_space<semaphore_mem>>) src(%dma_wait3A_66 : memref<80xi32, #tpu.memory_space<vmem_shared>>) dst(%arg8 : memref<80xi32, #tpu.memory_space<vmem>>)
      tpu.yield
    }) : () -> ()
    %dma_start3A_36 = arith.constant 0 : i32
    %dma_start3A_37 = arith.constant 0 : i32
    %dma_start3A_38 = tpu.memref_slice %arg4[%dma_start3A_36, %dma_start3A_37] : memref<10008x128xf32, #tpu.memory_space<hbm>> -> memref<10008x128xf32, #tpu.memory_space<hbm>>
    tpu.enqueue_indirect_dma source(%dma_start3A_38 : memref<10008x128xf32, #tpu.memory_space<hbm>>) target(%arg10 : memref<80x128xf32, #tpu.memory_space<vmem>>) offsets(%arg6 : memref<80xi32, #tpu.memory_space<vmem>>) semaphore(%arg15 : memref<!tpu.dma_semaphore, #tpu.memory_space<semaphore_mem>>)
    %scan3A_39 = arith.constant 0 : i32
    %scan3A_40 = arith.constant 0 : i32
    %scan3A_41 = arith.constant 62 : i32
    %scan3A_42 = arith.addi %scan3A_40, %scan3A_41 : i32
    %scan3A_43 = arith.constant 1 : i32
    %scan3A_44 = scf.for %scan3A_54 = %scan3A_40 to %scan3A_42 step %scan3A_43 iter_args(%scan3A_55 = %scan3A_39) -> (i32)  : i32 {
      %mul3A_56 = arith.constant 2 : i32
      %mul3A_57 = arith.muli %scan3A_54, %mul3A_56 : i32
      %add3A_58 = arith.constant 0 : i32
      %add3A_59 = arith.addi %mul3A_57, %add3A_58 : i32
      %add3A_60 = arith.constant 1 : i32
      %add3A_61 = arith.addi %add3A_59, %add3A_60 : i32
      %mul3A_62 = arith.constant 80 : i32
      %mul3A_63 = arith.muli %add3A_61, %mul3A_62 : i32
      %run_scoped3A_64 = arith.constant 0 : i32
      "tpu.region"() ({
        %run_scoped3A_89 = tpu.sem_alloc : memref<!tpu.dma_semaphore, #tpu.memory_space<semaphore_mem>>
        %dma_start3A_90 = tpu.memref_slice %arg14[%arg1, %run_scoped3A_64, %mul3A_63] : memref<16x2x10000xi32, #tpu.memory_space<vmem_shared>> -> memref<1x1x80xi32, #tpu.memory_space<vmem_shared>>
        %dma_start3A_91 = tpu.memref_squeeze %dma_start3A_90 : memref<1x1x80xi32, #tpu.memory_space<vmem_shared>> -> memref<80xi32, #tpu.memory_space<vmem_shared>>
        %dma_start3A_92 = tpu.memref_slice %arg14[%arg1, %run_scoped3A_64, %mul3A_63] : memref<16x2x10000xi32, #tpu.memory_space<vmem_shared>> -> memref<1x1x80xi32, #tpu.memory_space<vmem_shared>>
        %dma_start3A_93 = tpu.memref_squeeze %dma_start3A_92 : memref<1x1x80xi32, #tpu.memory_space<vmem_shared>> -> memref<80xi32, #tpu.memory_space<vmem_shared>>
        tpu.enqueue_dma source(%dma_start3A_93 : memref<80xi32, #tpu.memory_space<vmem_shared>>) target(%arg7 : memref<80xi32, #tpu.memory_space<vmem>>) target_semaphore(%run_scoped3A_89 : memref<!tpu.dma_semaphore, #tpu.memory_space<semaphore_mem>>)
        %dma_wait3A_94 = tpu.memref_slice %arg14[%arg1, %run_scoped3A_64, %mul3A_63] : memref<16x2x10000xi32, #tpu.memory_space<vmem_shared>> -> memref<1x1x80xi32, #tpu.memory_space<vmem_shared>>
        %dma_wait3A_95 = tpu.memref_squeeze %dma_wait3A_94 : memref<1x1x80xi32, #tpu.memory_space<vmem_shared>> -> memref<80xi32, #tpu.memory_space<vmem_shared>>
        %dma_wait3A_96 = tpu.memref_slice %arg14[%arg1, %run_scoped3A_64, %mul3A_63] : memref<16x2x10000xi32, #tpu.memory_space<vmem_shared>> -> memref<1x1x80xi32, #tpu.memory_space<vmem_shared>>
        %dma_wait3A_97 = tpu.memref_squeeze %dma_wait3A_96 : memref<1x1x80xi32, #tpu.memory_space<vmem_shared>> -> memref<80xi32, #tpu.memory_space<vmem_shared>>
        tpu.wait_dma2 semaphore(%run_scoped3A_89 : memref<!tpu.dma_semaphore, #tpu.memory_space<semaphore_mem>>) src(%dma_wait3A_97 : memref<80xi32, #tpu.memory_space<vmem_shared>>) dst(%arg7 : memref<80xi32, #tpu.memory_space<vmem>>)
        tpu.yield
      }) : () -> ()
      %run_scoped3A_65 = arith.constant 1 : i32
      "tpu.region"() ({
        %run_scoped3A_89 = tpu.sem_alloc : memref<!tpu.dma_semaphore, #tpu.memory_space<semaphore_mem>>
        %dma_start3A_90 = tpu.memref_slice %arg14[%arg1, %run_scoped3A_65, %mul3A_63] : memref<16x2x10000xi32, #tpu.memory_space<vmem_shared>> -> memref<1x1x80xi32, #tpu.memory_space<vmem_shared>>
        %dma_start3A_91 = tpu.memref_squeeze %dma_start3A_90 : memref<1x1x80xi32, #tpu.memory_space<vmem_shared>> -> memref<80xi32, #tpu.memory_space<vmem_shared>>
        %dma_start3A_92 = tpu.memref_slice %arg14[%arg1, %run_scoped3A_65, %mul3A_63] : memref<16x2x10000xi32, #tpu.memory_space<vmem_shared>> -> memref<1x1x80xi32, #tpu.memory_space<vmem_shared>>
        %dma_start3A_93 = tpu.memref_squeeze %dma_start3A_92 : memref<1x1x80xi32, #tpu.memory_space<vmem_shared>> -> memref<80xi32, #tpu.memory_space<vmem_shared>>
        tpu.enqueue_dma source(%dma_start3A_93 : memref<80xi32, #tpu.memory_space<vmem_shared>>) target(%arg9 : memref<80xi32, #tpu.memory_space<vmem>>) target_semaphore(%run_scoped3A_89 : memref<!tpu.dma_semaphore, #tpu.memory_space<semaphore_mem>>)
        %dma_wait3A_94 = tpu.memref_slice %arg14[%arg1, %run_scoped3A_65, %mul3A_63] : memref<16x2x10000xi32, #tpu.memory_space<vmem_shared>> -> memref<1x1x80xi32, #tpu.memory_space<vmem_shared>>
        %dma_wait3A_95 = tpu.memref_squeeze %dma_wait3A_94 : memref<1x1x80xi32, #tpu.memory_space<vmem_shared>> -> memref<80xi32, #tpu.memory_space<vmem_shared>>
        %dma_wait3A_96 = tpu.memref_slice %arg14[%arg1, %run_scoped3A_65, %mul3A_63] : memref<16x2x10000xi32, #tpu.memory_space<vmem_shared>> -> memref<1x1x80xi32, #tpu.memory_space<vmem_shared>>
        %dma_wait3A_97 = tpu.memref_squeeze %dma_wait3A_96 : memref<1x1x80xi32, #tpu.memory_space<vmem_shared>> -> memref<80xi32, #tpu.memory_space<vmem_shared>>
        tpu.wait_dma2 semaphore(%run_scoped3A_89 : memref<!tpu.dma_semaphore, #tpu.memory_space<semaphore_mem>>) src(%dma_wait3A_97 : memref<80xi32, #tpu.memory_space<vmem_shared>>) dst(%arg9 : memref<80xi32, #tpu.memory_space<vmem>>)
        tpu.yield
      }) : () -> ()
      %dma_start3A_66 = arith.constant 0 : i32
      %dma_start3A_67 = arith.constant 0 : i32
      %dma_start3A_68 = tpu.memref_slice %arg4[%dma_start3A_66, %dma_start3A_67] : memref<10008x128xf32, #tpu.memory_space<hbm>> -> memref<10008x128xf32, #tpu.memory_space<hbm>>
      tpu.enqueue_indirect_dma source(%dma_start3A_68 : memref<10008x128xf32, #tpu.memory_space<hbm>>) target(%arg11 : memref<80x128xf32, #tpu.memory_space<vmem>>) offsets(%arg7 : memref<80xi32, #tpu.memory_space<vmem>>) semaphore(%arg16 : memref<!tpu.dma_semaphore, #tpu.memory_space<semaphore_mem>>)
      %dma_wait3A_69 = arith.constant 0 : i32
      %dma_wait3A_70 = arith.constant 0 : i32
      %dma_wait3A_71 = tpu.memref_slice %arg4[%dma_wait3A_69, %dma_wait3A_70] : memref<10008x128xf32, #tpu.memory_space<hbm>> -> memref<10008x128xf32, #tpu.memory_space<hbm>>
      tpu.wait_indirect_dma semaphore(%arg15 : memref<!tpu.dma_semaphore, #tpu.memory_space<semaphore_mem>>) src(%dma_wait3A_71 : memref<10008x128xf32, #tpu.memory_space<hbm>>) dst(%arg10 : memref<80x128xf32, #tpu.memory_space<vmem>>)
      "tpu.region"() ({
        %run_scoped3A_89 = tpu.sem_alloc : memref<!tpu.dma_semaphore, #tpu.memory_space<semaphore_mem>>
        %dma_start3A_90 = arith.constant 0 : i32
        %dma_start3A_91 = arith.constant 0 : i32
        %dma_start3A_92 = tpu.memref_slice %arg13[%dma_start3A_90, %dma_start3A_91] : memref<10008x128xf32, #tpu.memory_space<vmem_shared>> -> memref<10008x128xf32, #tpu.memory_space<vmem_shared>>
        tpu.enqueue_indirect_dma source(%arg10 : memref<80x128xf32, #tpu.memory_space<vmem>>) target(%dma_start3A_92 : memref<10008x128xf32, #tpu.memory_space<vmem_shared>>) offsets(%arg8 : memref<80xi32, #tpu.memory_space<vmem>>) semaphore(%run_scoped3A_89 : memref<!tpu.dma_semaphore, #tpu.memory_space<semaphore_mem>>) {add = true}
        %dma_wait3A_93 = arith.constant 0 : i32
        %dma_wait3A_94 = arith.constant 0 : i32
        %dma_wait3A_95 = tpu.memref_slice %arg13[%dma_wait3A_93, %dma_wait3A_94] : memref<10008x128xf32, #tpu.memory_space<vmem_shared>> -> memref<10008x128xf32, #tpu.memory_space<vmem_shared>>
        tpu.wait_indirect_dma semaphore(%run_scoped3A_89 : memref<!tpu.dma_semaphore, #tpu.memory_space<semaphore_mem>>) src(%arg10 : memref<80x128xf32, #tpu.memory_space<vmem>>) dst(%dma_wait3A_95 : memref<10008x128xf32, #tpu.memory_space<vmem_shared>>)
        tpu.yield
      }) : () -> ()
      %mul3A_72 = arith.constant 2 : i32
      %mul3A_73 = arith.muli %scan3A_54, %mul3A_72 : i32
      %add3A_74 = arith.constant 1 : i32
      %add3A_75 = arith.addi %mul3A_73, %add3A_74 : i32
      %add3A_76 = arith.constant 1 : i32
      %add3A_77 = arith.addi %add3A_75, %add3A_76 : i32
      %mul3A_78 = arith.constant 80 : i32
      %mul3A_79 = arith.muli %add3A_77, %mul3A_78 : i32
      %run_scoped3A_80 = arith.constant 0 : i32
      "tpu.region"() ({
        %run_scoped3A_89 = tpu.sem_alloc : memref<!tpu.dma_semaphore, #tpu.memory_space<semaphore_mem>>
        %dma_start3A_90 = tpu.memref_slice %arg14[%arg1, %run_scoped3A_80, %mul3A_79] : memref<16x2x10000xi32, #tpu.memory_space<vmem_shared>> -> memref<1x1x80xi32, #tpu.memory_space<vmem_shared>>
        %dma_start3A_91 = tpu.memref_squeeze %dma_start3A_90 : memref<1x1x80xi32, #tpu.memory_space<vmem_shared>> -> memref<80xi32, #tpu.memory_space<vmem_shared>>
        %dma_start3A_92 = tpu.memref_slice %arg14[%arg1, %run_scoped3A_80, %mul3A_79] : memref<16x2x10000xi32, #tpu.memory_space<vmem_shared>> -> memref<1x1x80xi32, #tpu.memory_space<vmem_shared>>
        %dma_start3A_93 = tpu.memref_squeeze %dma_start3A_92 : memref<1x1x80xi32, #tpu.memory_space<vmem_shared>> -> memref<80xi32, #tpu.memory_space<vmem_shared>>
        tpu.enqueue_dma source(%dma_start3A_93 : memref<80xi32, #tpu.memory_space<vmem_shared>>) target(%arg6 : memref<80xi32, #tpu.memory_space<vmem>>) target_semaphore(%run_scoped3A_89 : memref<!tpu.dma_semaphore, #tpu.memory_space<semaphore_mem>>)
        %dma_wait3A_94 = tpu.memref_slice %arg14[%arg1, %run_scoped3A_80, %mul3A_79] : memref<16x2x10000xi32, #tpu.memory_space<vmem_shared>> -> memref<1x1x80xi32, #tpu.memory_space<vmem_shared>>
        %dma_wait3A_95 = tpu.memref_squeeze %dma_wait3A_94 : memref<1x1x80xi32, #tpu.memory_space<vmem_shared>> -> memref<80xi32, #tpu.memory_space<vmem_shared>>
        %dma_wait3A_96 = tpu.memref_slice %arg14[%arg1, %run_scoped3A_80, %mul3A_79] : memref<16x2x10000xi32, #tpu.memory_space<vmem_shared>> -> memref<1x1x80xi32, #tpu.memory_space<vmem_shared>>
        %dma_wait3A_97 = tpu.memref_squeeze %dma_wait3A_96 : memref<1x1x80xi32, #tpu.memory_space<vmem_shared>> -> memref<80xi32, #tpu.memory_space<vmem_shared>>
        tpu.wait_dma2 semaphore(%run_scoped3A_89 : memref<!tpu.dma_semaphore, #tpu.memory_space<semaphore_mem>>) src(%dma_wait3A_97 : memref<80xi32, #tpu.memory_space<vmem_shared>>) dst(%arg6 : memref<80xi32, #tpu.memory_space<vmem>>)
        tpu.yield
      }) : () -> ()
      %run_scoped3A_81 = arith.constant 1 : i32
      "tpu.region"() ({
        %run_scoped3A_89 = tpu.sem_alloc : memref<!tpu.dma_semaphore, #tpu.memory_space<semaphore_mem>>
        %dma_start3A_90 = tpu.memref_slice %arg14[%arg1, %run_scoped3A_81, %mul3A_79] : memref<16x2x10000xi32, #tpu.memory_space<vmem_shared>> -> memref<1x1x80xi32, #tpu.memory_space<vmem_shared>>
        %dma_start3A_91 = tpu.memref_squeeze %dma_start3A_90 : memref<1x1x80xi32, #tpu.memory_space<vmem_shared>> -> memref<80xi32, #tpu.memory_space<vmem_shared>>
        %dma_start3A_92 = tpu.memref_slice %arg14[%arg1, %run_scoped3A_81, %mul3A_79] : memref<16x2x10000xi32, #tpu.memory_space<vmem_shared>> -> memref<1x1x80xi32, #tpu.memory_space<vmem_shared>>
        %dma_start3A_93 = tpu.memref_squeeze %dma_start3A_92 : memref<1x1x80xi32, #tpu.memory_space<vmem_shared>> -> memref<80xi32, #tpu.memory_space<vmem_shared>>
        tpu.enqueue_dma source(%dma_start3A_93 : memref<80xi32, #tpu.memory_space<vmem_shared>>) target(%arg8 : memref<80xi32, #tpu.memory_space<vmem>>) target_semaphore(%run_scoped3A_89 : memref<!tpu.dma_semaphore, #tpu.memory_space<semaphore_mem>>)
        %dma_wait3A_94 = tpu.memref_slice %arg14[%arg1, %run_scoped3A_81, %mul3A_79] : memref<16x2x10000xi32, #tpu.memory_space<vmem_shared>> -> memref<1x1x80xi32, #tpu.memory_space<vmem_shared>>
        %dma_wait3A_95 = tpu.memref_squeeze %dma_wait3A_94 : memref<1x1x80xi32, #tpu.memory_space<vmem_shared>> -> memref<80xi32, #tpu.memory_space<vmem_shared>>
        %dma_wait3A_96 = tpu.memref_slice %arg14[%arg1, %run_scoped3A_81, %mul3A_79] : memref<16x2x10000xi32, #tpu.memory_space<vmem_shared>> -> memref<1x1x80xi32, #tpu.memory_space<vmem_shared>>
        %dma_wait3A_97 = tpu.memref_squeeze %dma_wait3A_96 : memref<1x1x80xi32, #tpu.memory_space<vmem_shared>> -> memref<80xi32, #tpu.memory_space<vmem_shared>>
        tpu.wait_dma2 semaphore(%run_scoped3A_89 : memref<!tpu.dma_semaphore, #tpu.memory_space<semaphore_mem>>) src(%dma_wait3A_97 : memref<80xi32, #tpu.memory_space<vmem_shared>>) dst(%arg8 : memref<80xi32, #tpu.memory_space<vmem>>)
        tpu.yield
      }) : () -> ()
      %dma_start3A_82 = arith.constant 0 : i32
      %dma_start3A_83 = arith.constant 0 : i32
      %dma_start3A_84 = tpu.memref_slice %arg4[%dma_start3A_82, %dma_start3A_83] : memref<10008x128xf32, #tpu.memory_space<hbm>> -> memref<10008x128xf32, #tpu.memory_space<hbm>>
      tpu.enqueue_indirect_dma source(%dma_start3A_84 : memref<10008x128xf32, #tpu.memory_space<hbm>>) target(%arg10 : memref<80x128xf32, #tpu.memory_space<vmem>>) offsets(%arg6 : memref<80xi32, #tpu.memory_space<vmem>>) semaphore(%arg15 : memref<!tpu.dma_semaphore, #tpu.memory_space<semaphore_mem>>)
      %dma_wait3A_85 = arith.constant 0 : i32
      %dma_wait3A_86 = arith.constant 0 : i32
      %dma_wait3A_87 = tpu.memref_slice %arg4[%dma_wait3A_85, %dma_wait3A_86] : memref<10008x128xf32, #tpu.memory_space<hbm>> -> memref<10008x128xf32, #tpu.memory_space<hbm>>
      tpu.wait_indirect_dma semaphore(%arg16 : memref<!tpu.dma_semaphore, #tpu.memory_space<semaphore_mem>>) src(%dma_wait3A_87 : memref<10008x128xf32, #tpu.memory_space<hbm>>) dst(%arg11 : memref<80x128xf32, #tpu.memory_space<vmem>>)
      "tpu.region"() ({
        %run_scoped3A_89 = tpu.sem_alloc : memref<!tpu.dma_semaphore, #tpu.memory_space<semaphore_mem>>
        %dma_start3A_90 = arith.constant 0 : i32
        %dma_start3A_91 = arith.constant 0 : i32
        %dma_start3A_92 = tpu.memref_slice %arg13[%dma_start3A_90, %dma_start3A_91] : memref<10008x128xf32, #tpu.memory_space<vmem_shared>> -> memref<10008x128xf32, #tpu.memory_space<vmem_shared>>
        tpu.enqueue_indirect_dma source(%arg11 : memref<80x128xf32, #tpu.memory_space<vmem>>) target(%dma_start3A_92 : memref<10008x128xf32, #tpu.memory_space<vmem_shared>>) offsets(%arg9 : memref<80xi32, #tpu.memory_space<vmem>>) semaphore(%run_scoped3A_89 : memref<!tpu.dma_semaphore, #tpu.memory_space<semaphore_mem>>) {add = true}
        %dma_wait3A_93 = arith.constant 0 : i32
        %dma_wait3A_94 = arith.constant 0 : i32
        %dma_wait3A_95 = tpu.memref_slice %arg13[%dma_wait3A_93, %dma_wait3A_94] : memref<10008x128xf32, #tpu.memory_space<vmem_shared>> -> memref<10008x128xf32, #tpu.memory_space<vmem_shared>>
        tpu.wait_indirect_dma semaphore(%run_scoped3A_89 : memref<!tpu.dma_semaphore, #tpu.memory_space<semaphore_mem>>) src(%arg11 : memref<80x128xf32, #tpu.memory_space<vmem>>) dst(%dma_wait3A_95 : memref<10008x128xf32, #tpu.memory_space<vmem_shared>>)
        tpu.yield
      }) : () -> ()
      %scan3A_88 = arith.constant 0 : i32
      scf.yield %scan3A_88 : i32
    }
    %scan3A_45 = arith.constant 62 : i32
    %dma_wait3A_46 = arith.constant 0 : i32
    %dma_wait3A_47 = arith.constant 0 : i32
    %dma_wait3A_48 = tpu.memref_slice %arg4[%dma_wait3A_46, %dma_wait3A_47] : memref<10008x128xf32, #tpu.memory_space<hbm>> -> memref<10008x128xf32, #tpu.memory_space<hbm>>
    tpu.wait_indirect_dma semaphore(%arg15 : memref<!tpu.dma_semaphore, #tpu.memory_space<semaphore_mem>>) src(%dma_wait3A_48 : memref<10008x128xf32, #tpu.memory_space<hbm>>) dst(%arg10 : memref<80x128xf32, #tpu.memory_space<vmem>>)
    "tpu.region"() ({
      %run_scoped3A_54 = tpu.sem_alloc : memref<!tpu.dma_semaphore, #tpu.memory_space<semaphore_mem>>
      %dma_start3A_55 = arith.constant 0 : i32
      %dma_start3A_56 = arith.constant 0 : i32
      %dma_start3A_57 = tpu.memref_slice %arg13[%dma_start3A_55, %dma_start3A_56] : memref<10008x128xf32, #tpu.memory_space<vmem_shared>> -> memref<10008x128xf32, #tpu.memory_space<vmem_shared>>
      tpu.enqueue_indirect_dma source(%arg10 : memref<80x128xf32, #tpu.memory_space<vmem>>) target(%dma_start3A_57 : memref<10008x128xf32, #tpu.memory_space<vmem_shared>>) offsets(%arg8 : memref<80xi32, #tpu.memory_space<vmem>>) semaphore(%run_scoped3A_54 : memref<!tpu.dma_semaphore, #tpu.memory_space<semaphore_mem>>) {add = true}
      %dma_wait3A_58 = arith.constant 0 : i32
      %dma_wait3A_59 = arith.constant 0 : i32
      %dma_wait3A_60 = tpu.memref_slice %arg13[%dma_wait3A_58, %dma_wait3A_59] : memref<10008x128xf32, #tpu.memory_space<vmem_shared>> -> memref<10008x128xf32, #tpu.memory_space<vmem_shared>>
      tpu.wait_indirect_dma semaphore(%run_scoped3A_54 : memref<!tpu.dma_semaphore, #tpu.memory_space<semaphore_mem>>) src(%arg10 : memref<80x128xf32, #tpu.memory_space<vmem>>) dst(%dma_wait3A_60 : memref<10008x128xf32, #tpu.memory_space<vmem_shared>>)
      tpu.yield
    }) : () -> ()
    %barrier3A_49 = arith.constant 0 : index
    tpu.barrier barrier_id(%barrier3A_49)
    %mul3A_50 = arith.constant 625 : i32
    %mul3A_51 = arith.muli %arg1, %mul3A_50 : i32
    %mul3A_52 = arith.constant 625 : i32
    %mul3A_53 = arith.muli %arg1, %mul3A_52 : i32
    "tpu.region"() ({
      %run_scoped3A_54 = tpu.sem_alloc : memref<!tpu.dma_semaphore, #tpu.memory_space<semaphore_mem>>
      %dma_start3A_55 = arith.constant 0 : i32
      %dma_start3A_56 = tpu.memref_slice %arg5[%arg0, %mul3A_53, %dma_start3A_55] : memref<2x10000x128xf32, #tpu.memory_space<hbm>> -> memref<1x625x128xf32, #tpu.memory_space<hbm>>
      %dma_start3A_57 = tpu.memref_squeeze %dma_start3A_56 : memref<1x625x128xf32, #tpu.memory_space<hbm>> -> memref<625x128xf32, #tpu.memory_space<hbm>>
      %dma_start3A_58 = arith.constant 0 : i32
      %dma_start3A_59 = tpu.memref_slice %arg13[%mul3A_51, %dma_start3A_58] : memref<10008x128xf32, #tpu.memory_space<vmem_shared>> -> memref<625x128xf32, #tpu.memory_space<vmem_shared>>
      tpu.enqueue_dma source(%dma_start3A_59 : memref<625x128xf32, #tpu.memory_space<vmem_shared>>) target(%dma_start3A_57 : memref<625x128xf32, #tpu.memory_space<hbm>>) target_semaphore(%run_scoped3A_54 : memref<!tpu.dma_semaphore, #tpu.memory_space<semaphore_mem>>)
      %dma_wait3A_60 = arith.constant 0 : i32
      %dma_wait3A_61 = tpu.memref_slice %arg5[%arg0, %mul3A_53, %dma_wait3A_60] : memref<2x10000x128xf32, #tpu.memory_space<hbm>> -> memref<1x625x128xf32, #tpu.memory_space<hbm>>
      %dma_wait3A_62 = tpu.memref_squeeze %dma_wait3A_61 : memref<1x625x128xf32, #tpu.memory_space<hbm>> -> memref<625x128xf32, #tpu.memory_space<hbm>>
      %dma_wait3A_63 = arith.constant 0 : i32
      %dma_wait3A_64 = tpu.memref_slice %arg13[%mul3A_51, %dma_wait3A_63] : memref<10008x128xf32, #tpu.memory_space<vmem_shared>> -> memref<625x128xf32, #tpu.memory_space<vmem_shared>>
      tpu.wait_dma2 semaphore(%run_scoped3A_54 : memref<!tpu.dma_semaphore, #tpu.memory_space<semaphore_mem>>) src(%dma_wait3A_64 : memref<625x128xf32, #tpu.memory_space<vmem_shared>>) dst(%dma_wait3A_62 : memref<625x128xf32, #tpu.memory_space<hbm>>)
      tpu.yield
    }) : () -> ()
    return
  }
}

#map = affine_map<(d0, d1) -> (0)>
#map1 = affine_map<(d0, d1) -> (0, 0)>
module attributes {stable_mosaic.version = 14 : i64} {
  func.func @deg_kernel(%arg0: i32, %arg1: i32, %arg2: memref<320000xi32, #tpu.memory_space<hbm>>, %arg3: memref<32x10000xf32, #tpu.memory_space<hbm>>, %arg4: memref<10000xi32, #tpu.memory_space<vmem>>, %arg5: memref<10016xf32, #tpu.memory_space<vmem>>) attributes {dimension_semantics = [#tpu.dimension_semantics<core_parallel>, #tpu.dimension_semantics<subcore_parallel>], iteration_bounds = array<i64: 2, 16>, scalar_prefetch = 0 : i64, scratch_operands = 2 : i64, tpu.core_type = #tpu.core_type<sc_vector_subcore>, window_params = [{transform_indices = #map}, {transform_indices = #map1}]} {
    %mul3A = arith.constant 2 : i32
    %mul3A_0 = arith.muli %arg1, %mul3A : i32
    %add3A = arith.addi %mul3A_0, %arg0 : i32
    %mul3A_1 = arith.constant 10000 : i32
    %mul3A_2 = arith.muli %add3A, %mul3A_1 : i32
    "tpu.region"() ({
      %run_scoped3A = tpu.sem_alloc : memref<!tpu.dma_semaphore, #tpu.memory_space<semaphore_mem>>
      %dma_start3A = tpu.memref_slice %arg2[%mul3A_2] : memref<320000xi32, #tpu.memory_space<hbm>> -> memref<10000xi32, #tpu.memory_space<hbm>>
      %dma_start3A_19 = tpu.memref_slice %arg2[%mul3A_2] : memref<320000xi32, #tpu.memory_space<hbm>> -> memref<10000xi32, #tpu.memory_space<hbm>>
      tpu.enqueue_dma source(%dma_start3A_19 : memref<10000xi32, #tpu.memory_space<hbm>>) target(%arg4 : memref<10000xi32, #tpu.memory_space<vmem>>) target_semaphore(%run_scoped3A : memref<!tpu.dma_semaphore, #tpu.memory_space<semaphore_mem>>)
      %dma_wait3A = tpu.memref_slice %arg2[%mul3A_2] : memref<320000xi32, #tpu.memory_space<hbm>> -> memref<10000xi32, #tpu.memory_space<hbm>>
      %dma_wait3A_20 = tpu.memref_slice %arg2[%mul3A_2] : memref<320000xi32, #tpu.memory_space<hbm>> -> memref<10000xi32, #tpu.memory_space<hbm>>
      tpu.wait_dma2 semaphore(%run_scoped3A : memref<!tpu.dma_semaphore, #tpu.memory_space<semaphore_mem>>) src(%dma_wait3A_20 : memref<10000xi32, #tpu.memory_space<hbm>>) dst(%arg4 : memref<10000xi32, #tpu.memory_space<vmem>>)
      tpu.yield
    }) : () -> ()
    %broadcast_in_dim3A = arith.constant 0.000000e+00 : f32
    %broadcast_in_dim3A_3 = vector.broadcast %broadcast_in_dim3A : f32 to vector<16xf32>
    %scan3A = arith.constant 0 : i32
    %scan3A_4 = arith.constant 0 : i32
    %scan3A_5 = arith.constant 626 : i32
    %scan3A_6 = arith.addi %scan3A_4, %scan3A_5 : i32
    %scan3A_7 = arith.constant 1 : i32
    %scan3A_8 = scf.for %scan3A_19 = %scan3A_4 to %scan3A_6 step %scan3A_7 iter_args(%scan3A_20 = %scan3A) -> (i32)  : i32 {
      %mul3A_21 = arith.constant 16 : i32
      %mul3A_22 = arith.muli %scan3A_19, %mul3A_21 : i32
      %swap3A = arith.index_cast %mul3A_22 : i32 to index
      %swap3A_23 = tpu.vector_load %arg5[%swap3A] {strides = array<i32>} : memref<10016xf32, #tpu.memory_space<vmem>>, vector<16xf32>,
      tpu.vector_store %arg5[%swap3A], %broadcast_in_dim3A_3 {strides = array<i32>} : memref<10016xf32, #tpu.memory_space<vmem>>, vector<16xf32>,
      %scan3A_24 = arith.constant 0 : i32
      scf.yield %scan3A_24 : i32
    }
    %scan3A_9 = arith.constant 626 : i32
    %broadcast_in_dim3A_10 = arith.constant 1.000000e+00 : f32
    %broadcast_in_dim3A_11 = vector.broadcast %broadcast_in_dim3A_10 : f32 to vector<16xf32>
    %scan3A_12 = arith.constant 0 : i32
    %scan3A_13 = arith.constant 0 : i32
    %scan3A_14 = arith.constant 625 : i32
    %scan3A_15 = arith.addi %scan3A_13, %scan3A_14 : i32
    %scan3A_16 = arith.constant 1 : i32
    %scan3A_17 = scf.for %scan3A_19 = %scan3A_13 to %scan3A_15 step %scan3A_16 iter_args(%scan3A_20 = %scan3A_12) -> (i32)  : i32 {
      %mul3A_21 = arith.constant 16 : i32
      %mul3A_22 = arith.muli %scan3A_19, %mul3A_21 : i32
      %get3A = arith.index_cast %mul3A_22 : i32 to index
      %get3A_23 = tpu.vector_load %arg4[%get3A] {strides = array<i32>} : memref<10000xi32, #tpu.memory_space<vmem>>, vector<16xi32>,
      tpu.vector_store_idx %arg5[%get3A_23], %broadcast_in_dim3A_11 {add = true} : memref<10016xf32, #tpu.memory_space<vmem>>[vector<16xi32>], vector<16xf32>,
      %scan3A_24 = arith.constant 0 : i32
      scf.yield %scan3A_24 : i32
    }
    %scan3A_18 = arith.constant 625 : i32
    "tpu.region"() ({
      %run_scoped3A = tpu.sem_alloc : memref<!tpu.dma_semaphore, #tpu.memory_space<semaphore_mem>>
      %dma_start3A = arith.constant 0 : i32
      %dma_start3A_19 = tpu.memref_slice %arg5[%dma_start3A] : memref<10016xf32, #tpu.memory_space<vmem>> -> memref<10000xf32, #tpu.memory_space<vmem>>
      %dma_start3A_20 = arith.constant 0 : i32
      %dma_start3A_21 = tpu.memref_slice %arg3[%add3A, %dma_start3A_20] : memref<32x10000xf32, #tpu.memory_space<hbm>> -> memref<1x10000xf32, #tpu.memory_space<hbm>>
      %dma_start3A_22 = tpu.memref_squeeze %dma_start3A_21 : memref<1x10000xf32, #tpu.memory_space<hbm>> -> memref<10000xf32, #tpu.memory_space<hbm>>
      %dma_start3A_23 = arith.constant 0 : i32
      %dma_start3A_24 = tpu.memref_slice %arg3[%add3A, %dma_start3A_23] : memref<32x10000xf32, #tpu.memory_space<hbm>> -> memref<1x10000xf32, #tpu.memory_space<hbm>>
      %dma_start3A_25 = tpu.memref_squeeze %dma_start3A_24 : memref<1x10000xf32, #tpu.memory_space<hbm>> -> memref<10000xf32, #tpu.memory_space<hbm>>
      %dma_start3A_26 = arith.constant 0 : i32
      %dma_start3A_27 = tpu.memref_slice %arg5[%dma_start3A_26] : memref<10016xf32, #tpu.memory_space<vmem>> -> memref<10000xf32, #tpu.memory_space<vmem>>
      tpu.enqueue_dma source(%dma_start3A_27 : memref<10000xf32, #tpu.memory_space<vmem>>) target(%dma_start3A_25 : memref<10000xf32, #tpu.memory_space<hbm>>) target_semaphore(%run_scoped3A : memref<!tpu.dma_semaphore, #tpu.memory_space<semaphore_mem>>)
      %dma_wait3A = arith.constant 0 : i32
      %dma_wait3A_28 = tpu.memref_slice %arg5[%dma_wait3A] : memref<10016xf32, #tpu.memory_space<vmem>> -> memref<10000xf32, #tpu.memory_space<vmem>>
      %dma_wait3A_29 = arith.constant 0 : i32
      %dma_wait3A_30 = tpu.memref_slice %arg3[%add3A, %dma_wait3A_29] : memref<32x10000xf32, #tpu.memory_space<hbm>> -> memref<1x10000xf32, #tpu.memory_space<hbm>>
      %dma_wait3A_31 = tpu.memref_squeeze %dma_wait3A_30 : memref<1x10000xf32, #tpu.memory_space<hbm>> -> memref<10000xf32, #tpu.memory_space<hbm>>
      %dma_wait3A_32 = arith.constant 0 : i32
      %dma_wait3A_33 = tpu.memref_slice %arg3[%add3A, %dma_wait3A_32] : memref<32x10000xf32, #tpu.memory_space<hbm>> -> memref<1x10000xf32, #tpu.memory_space<hbm>>
      %dma_wait3A_34 = tpu.memref_squeeze %dma_wait3A_33 : memref<1x10000xf32, #tpu.memory_space<hbm>> -> memref<10000xf32, #tpu.memory_space<hbm>>
      %dma_wait3A_35 = arith.constant 0 : i32
      %dma_wait3A_36 = tpu.memref_slice %arg5[%dma_wait3A_35] : memref<10016xf32, #tpu.memory_space<vmem>> -> memref<10000xf32, #tpu.memory_space<vmem>>
      tpu.wait_dma2 semaphore(%run_scoped3A : memref<!tpu.dma_semaphore, #tpu.memory_space<semaphore_mem>>) src(%dma_wait3A_36 : memref<10000xf32, #tpu.memory_space<vmem>>) dst(%dma_wait3A_34 : memref<10000xf32, #tpu.memory_space<hbm>>)
      tpu.yield
    }) : () -> ()
    return
  }
}

module attributes {stable_mosaic.version = 14 : i64} {
  func.func @body(%arg0: i32, %arg1: memref<2000x128xf32, #tpu.memory_space<vmem>>, %arg2: memref<128x128xf32, #tpu.memory_space<vmem>>, %arg3: memref<2000x32xf32, #tpu.memory_space<vmem>>, %arg4: memref<2000x128xf32, #tpu.memory_space<vmem>>) attributes {dimension_semantics = [#tpu.dimension_semantics<arbitrary>], iteration_bounds = array<i64: 5>, scalar_prefetch = 0 : i64, scratch_operands = 0 : i64, tpu.core_type = #tpu.core_type<tc>, window_params = [{transform_indices = @transform_0, window_bounds = array<i64: 2000, 128>}, {pipeline_mode = #tpu.pipeline_mode<synchronous>, transform_indices = @transform_1, window_bounds = array<i64: 128, 128>}, {transform_indices = @transform_2, window_bounds = array<i64: 2000, 32>}, {transform_indices = @transform_3, window_bounds = array<i64: 2000, 128>}]} {
    %get3A = arith.constant 0 : index
    %get3A_0 = arith.constant 0 : index
    %get3A_1 = vector.load %arg3[%get3A, %get3A_0] : memref<2000x32xf32, #tpu.memory_space<vmem>>, vector<2000x32xf32>
    %reduce_sum3A = arith.constant dense<0.000000e+00> : vector<2000xf32>
    %reduce_sum3A_2 = vector.multi_reduction <add>, %get3A_1, %reduce_sum3A [1] : vector<2000x32xf32> to vector<2000xf32>
    %add3A = arith.constant 1.000000e+00 : f32
    %add3A_3 = vector.broadcast %add3A : f32 to vector<2000xf32>
    %add3A_4 = arith.addf %reduce_sum3A_2, %add3A_3 : vector<2000xf32>
    %rsqrt3A = math.rsqrt %add3A_4 : vector<2000xf32>
    %get3A_5 = arith.constant 0 : index
    %get3A_6 = arith.constant 0 : index
    %get3A_7 = vector.load %arg1[%get3A_5, %get3A_6] : memref<2000x128xf32, #tpu.memory_space<vmem>>, vector<2000x128xf32>
    %get3A_8 = arith.constant 0 : index
    %get3A_9 = arith.constant 0 : index
    %get3A_10 = vector.load %arg2[%get3A_8, %get3A_9] : memref<128x128xf32, #tpu.memory_space<vmem>>, vector<128x128xf32>
    %dot_general3A = arith.constant dense<0.000000e+00> : vector<2000x128xf32>
    %dot_general3A_11 = tpu.matmul %get3A_7, %get3A_10, %dot_general3A {dimension_numbers = #tpu.dot_dimension_numbers<[1], [1], [0], [0], [0, 0, 1, 0], [], []>, transpose_lhs_hint = false} : vector<2000x128xf32>, vector<128x128xf32>, vector<2000x128xf32> -> vector<2000x128xf32>
    %broadcast_in_dim3A = vector.shape_cast %rsqrt3A : vector<2000xf32> to vector<2000x1xf32>
    %mul3A = vector.broadcast %broadcast_in_dim3A : vector<2000x1xf32> to vector<2000x128xf32>
    %mul3A_12 = arith.mulf %dot_general3A_11, %mul3A : vector<2000x128xf32>
    %swap3A = arith.constant 0 : index
    %swap3A_13 = arith.constant 0 : index
    %swap3A_14 = vector.load %arg4[%swap3A, %swap3A_13] : memref<2000x128xf32, #tpu.memory_space<vmem>>, vector<2000x128xf32>
    tpu.vector_store %arg4[%swap3A, %swap3A_13], %mul3A_12 {strides = array<i32>} : memref<2000x128xf32, #tpu.memory_space<vmem>>, vector<2000x128xf32>,
    return
  }
  func.func @transform_0(%arg0: i32) -> (i32, i32) {
    %c0_i32 = arith.constant 0 : i32
    %c0_i32_0 = arith.constant 0 : i32
    return %arg0, %c0_i32 : i32, i32
  }
  func.func @transform_1(%arg0: i32) -> (i32, i32) {
    %c0_i32 = arith.constant 0 : i32
    %c0_i32_0 = arith.constant 0 : i32
    %c0_i32_1 = arith.constant 0 : i32
    return %c0_i32, %c0_i32_0 : i32, i32
  }
  func.func @transform_2(%arg0: i32) -> (i32, i32) {
    %c0_i32 = arith.constant 0 : i32
    %c0_i32_0 = arith.constant 0 : i32
    return %arg0, %c0_i32 : i32, i32
  }
  func.func @transform_3(%arg0: i32) -> (i32, i32) {
    %c0_i32 = arith.constant 0 : i32
    %c0_i32_0 = arith.constant 0 : i32
    return %arg0, %c0_i32 : i32, i32
  }
}

module attributes {stable_mosaic.version = 14 : i64} {
  func.func @body(%arg0: i32, %arg1: memref<2x2000x128xf32, #tpu.memory_space<vmem>>, %arg2: memref<2000x128xf32, #tpu.memory_space<vmem>>, %arg3: memref<2000x32xf32, #tpu.memory_space<vmem>>, %arg4: memref<1x128xf32, #tpu.memory_space<vmem>>, %arg5: memref<2000x128xf32, #tpu.memory_space<vmem>>) attributes {dimension_semantics = [#tpu.dimension_semantics<arbitrary>], iteration_bounds = array<i64: 5>, scalar_prefetch = 0 : i64, scratch_operands = 0 : i64, tpu.core_type = #tpu.core_type<tc>, window_params = [{transform_indices = @transform_0, window_bounds = array<i64: 2, 2000, 128>}, {transform_indices = @transform_1, window_bounds = array<i64: 2000, 128>}, {transform_indices = @transform_2, window_bounds = array<i64: 2000, 32>}, {pipeline_mode = #tpu.pipeline_mode<synchronous>, transform_indices = @transform_3, window_bounds = array<i64: 1, 128>}, {transform_indices = @transform_4, window_bounds = array<i64: 2000, 128>}]} {
    %get3A = arith.constant 0 : index
    %get3A_0 = arith.constant 0 : index
    %get3A_1 = vector.load %arg3[%get3A, %get3A_0] : memref<2000x32xf32, #tpu.memory_space<vmem>>, vector<2000x32xf32>
    %reduce_sum3A = arith.constant dense<0.000000e+00> : vector<2000xf32>
    %reduce_sum3A_2 = vector.multi_reduction <add>, %get3A_1, %reduce_sum3A [1] : vector<2000x32xf32> to vector<2000xf32>
    %add3A = arith.constant 1.000000e+00 : f32
    %add3A_3 = vector.broadcast %add3A : f32 to vector<2000xf32>
    %add3A_4 = arith.addf %reduce_sum3A_2, %add3A_3 : vector<2000xf32>
    %rsqrt3A = math.rsqrt %add3A_4 : vector<2000xf32>
    %get3A_5 = arith.constant 0 : index
    %get3A_6 = arith.constant 0 : index
    %get3A_7 = arith.constant 0 : index
    %get3A_8 = vector.load %arg1[%get3A_5, %get3A_6, %get3A_7] : memref<2x2000x128xf32, #tpu.memory_space<vmem>>, vector<1x2000x128xf32>
    %get3A_9 = vector.shape_cast %get3A_8 : vector<1x2000x128xf32> to vector<2000x128xf32>
    %get3A_10 = arith.constant 1 : index
    %get3A_11 = arith.constant 0 : index
    %get3A_12 = arith.constant 0 : index
    %get3A_13 = vector.load %arg1[%get3A_10, %get3A_11, %get3A_12] : memref<2x2000x128xf32, #tpu.memory_space<vmem>>, vector<1x2000x128xf32>
    %get3A_14 = vector.shape_cast %get3A_13 : vector<1x2000x128xf32> to vector<2000x128xf32>
    %add3A_15 = arith.addf %get3A_9, %get3A_14 : vector<2000x128xf32>
    %get3A_16 = arith.constant 0 : index
    %get3A_17 = arith.constant 0 : index
    %get3A_18 = vector.load %arg2[%get3A_16, %get3A_17] : memref<2000x128xf32, #tpu.memory_space<vmem>>, vector<2000x128xf32>
    %add3A_19 = arith.addf %add3A_15, %get3A_18 : vector<2000x128xf32>
    %broadcast_in_dim3A = vector.shape_cast %rsqrt3A : vector<2000xf32> to vector<2000x1xf32>
    %mul3A = vector.broadcast %broadcast_in_dim3A : vector<2000x1xf32> to vector<2000x128xf32>
    %mul3A_20 = arith.mulf %add3A_19, %mul3A : vector<2000x128xf32>
    %get3A_21 = arith.constant 0 : index
    %get3A_22 = arith.constant 0 : index
    %get3A_23 = vector.load %arg4[%get3A_21, %get3A_22] : memref<1x128xf32, #tpu.memory_space<vmem>>, vector<1x128xf32>
    %add3A_24 = vector.broadcast %get3A_23 : vector<1x128xf32> to vector<2000x128xf32>
    %add3A_25 = arith.addf %mul3A_20, %add3A_24 : vector<2000x128xf32>
    %swap3A = arith.constant 0 : index
    %swap3A_26 = arith.constant 0 : index
    %swap3A_27 = vector.load %arg5[%swap3A, %swap3A_26] : memref<2000x128xf32, #tpu.memory_space<vmem>>, vector<2000x128xf32>
    tpu.vector_store %arg5[%swap3A, %swap3A_26], %add3A_25 {strides = array<i32>} : memref<2000x128xf32, #tpu.memory_space<vmem>>, vector<2000x128xf32>,
    return
  }
  func.func @transform_0(%arg0: i32) -> (i32, i32, i32) {
    %c0_i32 = arith.constant 0 : i32
    %c0_i32_0 = arith.constant 0 : i32
    %c0_i32_1 = arith.constant 0 : i32
    return %c0_i32, %arg0, %c0_i32_0 : i32, i32, i32
  }
  func.func @transform_1(%arg0: i32) -> (i32, i32) {
    %c0_i32 = arith.constant 0 : i32
    %c0_i32_0 = arith.constant 0 : i32
    return %arg0, %c0_i32 : i32, i32
  }
  func.func @transform_2(%arg0: i32) -> (i32, i32) {
    %c0_i32 = arith.constant 0 : i32
    %c0_i32_0 = arith.constant 0 : i32
    return %arg0, %c0_i32 : i32, i32
  }
  func.func @transform_3(%arg0: i32) -> (i32, i32) {
    %c0_i32 = arith.constant 0 : i32
    %c0_i32_0 = arith.constant 0 : i32
    %c0_i32_1 = arith.constant 0 : i32
    return %c0_i32, %c0_i32_0 : i32, i32
  }
  func.func @transform_4(%arg0: i32) -> (i32, i32) {
    %c0_i32 = arith.constant 0 : i32
    %c0_i32_0 = arith.constant 0 : i32
    return %arg0, %c0_i32 : i32, i32
  }
}

</mosaic_0001>

<sc_bundles>
// kernel: kernel.6.cloned.1.call-start
scs
__scs_entry_jumppad:
0x0: {  	(pc) =	sbr.rel $0x88, $3  }
0x1: {  	(tag) =	ssettag $0x0;
	lr =	simm.s32 $0x1  }
0x2: {  	[smem:$0x3F9D] =	sst lr;
	_ =	strace $0xD0000000  }
0x3: {  	_ = 	snop  }
0x4: {  	_ = 	snop  }
0x5: {  	_ = 	snop  }
0x6: {  	_ = 	snop  }
0x7: {  	_ = 	snop  }
__scs_overlays_trampoline_lowered:
0x8: {  	[smem:$0x3FAC] =	sst s0  }
0x9: {  	[smem:$0x3FAD] =	sst s1  }
0xa: {  	[smem:$0x3FAE] =	sst s2  }
0xb: {  	[smem:$0x3FAF] =	sst s3  }
0xc: {  	[smem:$0x3FB0] =	sst s4  }
0xd: {  	[smem:$0x3FB1] =	sst s5  }
0xe: {  	[smem:$0x3FB2] =	sst s6  }
0xf: {  	[smem:$0x3FB3] =	sst s7  }
0x10: {  	[smem:$0x3FB4] =	sst s8  }
0x11: {  	[smem:$0x3FB5] =	sst s9;
	s0 =	simm.s32 @!p0 $0x0  }
0x12: {  	s1 =	sld [smem:$0x3F9B];
	s0 =	simm.s32 @p0 $0x1  }
0x13: {  	[smem:$0x3FB6] =	sst s0;
	s0 =	simm.s32 @!p1 $0x0  }
0x14: {  	s2 =	sld [smem:$0x3F9A];
	s0 =	simm.s32 @p1 $0x1  }
0x15: {  	[smem:$0x3FB7] =	sst s0;
	s0 =	simm.s32 @!p2 $0x0  }
0x16: {  	s3 =	sld [smem:$0x3FDB];
	s0 =	simm.s32 @p2 $0x1  }
0x17: {  	s4 =	simm.s32 $0x1BF5;
	[smem:$0x3FB9] =	sst s0  }
0x18: {  	s0 =	sld [smem:$0x3F9C];
	_ =	swait.ge [sflag:s4], $0x0  }
0x19: {  	s7 =	sld [smem:$0x3F9D]  }
0x1a: {  	s8 =	sadd.s32 $0xFFFFE003, lr  }
0x1b: {  	s9 =	sadd.s32 $0xFFFFFEF7, lr;
	s5 =	simm.s32 $0xFFFFFFFF;
	p2 =	slt.u32 s8, $0xFFFFF086  }
0x1c: {  	p1 =	slt.u32 s9, $0xF7A;
	s5 =	simm.s32 @!p2 $0x0  }
0x1d: {  	s5 =	simm.s32 @p1 $0x1;
	p0 =	seq.s32 s7, s2  }
0x1e: {  	s7 =	smul.u32 @!p0 $0xF7A, s2;
	p2 =	seq.s32 @!p0 s5, $0x0  }
0x1f: {  	s9 =	smul.u32 $0xF7A, s1;
	s8 =	simm.s32 @!p0 $0x1BF5;
	p2 =	por !p2, p0  }
0x20: {  	[sflag:s8] =	ssyncset.s32 @!p0 $0xFFFFF086;
	s6 =	sadd.s32 @!p0 s3, s7;
	s7 =	simm.s32 @!p0 $0x108  }
0x21: {  	s3 =	sadd.s32 s3, s9;
	s6 =	sadd.s32 @!p0 $0x88, s6;
	s7 =	simm.s32 @p2 $0x1082  }
0x22: {  	[simem:s7], [sflag:s8] =	dma.local @!p0 [hbm:s6], $0xF7A  }
0x23: {  	s9 =	sor.u32 $0xD0000000, s2;
	s6 =	simm.s32 $0x108;
	_ =	swait.ge @!p0 [sflag:s8], $0x0  }
0x24: {  	s3 =	sadd.s32 $0x88, s3;
	s6 =	simm.s32 @!p1 $0x1082;
	[sflag:s4] =	ssyncset.s32 $0xFFFFF086  }
0x25: {  	[simem:s6], [sflag:s4] =	dma.local [hbm:s3], $0xF7A  }
0x26: {  	[smem:$0x3F9D] =	sst s1;
	(tag) =	ssettag s2;
	_ =	strace s9  }
0x27: {  	s1 =	sld [smem:$0x3FAD]  }
0x28: {  	s2 =	sld [smem:$0x3FAE]  }
0x29: {  	s4 =	sld [smem:$0x3FB0]  }
0x2a: {  	p0 =	seq.s32 s5, $0x0;
	s5 =	sld [smem:$0x3FB1]  }
0x2b: {  	s6 =	sld [smem:$0x3FB2]  }
0x2c: {  	s7 =	sld [smem:$0x3FB3]  }
0x2d: {  	s3 =	simm.s32 $0x108;
	s8 =	sld [smem:$0x3FB4]  }
0x2e: {  	s3 =	simm.s32 @!p0 $0x1082;
	s9 =	sld [smem:$0x3FB5]  }
0x2f: {  	lr =	sadd.s32 s0, s3;
	s0 =	sld [smem:$0x3FAC]  }
0x30: {  	s3 =	sld [smem:$0x3FAF]  }
0x31: {  	[smem:$0x3FB8] =	sst s10  }
0x32: {  	s10 =	sld [smem:$0x3FB6];
	_ =	sdelay $0x3  }
0x33: {  	p0 =	seq.s32 s10, $0x1;
	s10 =	sld [smem:$0x3FB8];
	_ =	sdelay $0x3  }
0x34: {  	[smem:$0x3FB8] =	sst s10  }
0x35: {  	s10 =	sld [smem:$0x3FB7];
	_ =	sdelay $0x3  }
0x36: {  	p1 =	seq.s32 s10, $0x1;
	s10 =	sld [smem:$0x3FB8];
	_ =	sdelay $0x3  }
0x37: {  	[smem:$0x3FB8] =	sst s10  }
0x38: {  	s10 =	sld [smem:$0x3FB9]  }
0x39: {  	_ = 	snop;
	(pc) =	sbr.ind lr, $3  }
0x3a: {  	_ = 	snop  }
0x3b: {  	_ = 	snop  }
0x3c: {  	p2 =	seq.s32 s10, $0x1;
	s10 =	sld [smem:$0x3FB8]  }
0x3d: {  	_ =	shalt  }
0x3e: {  	_ =	shalt  }
0x3f: {  	_ =	shalt  }
0x40: {  	_ =	shalt  }
0x41: {  	_ =	shalt  }
0x42: {  	_ =	shalt  }
0x43: {  	_ =	shalt  }
0x44: {  	_ =	shalt  }
0x45: {  	_ =	shalt  }
0x46: {  	_ =	shalt  }
0x47: {  	_ =	shalt  }
0x48: {  	_ =	shalt  }
0x49: {  	_ =	shalt  }
0x4a: {  	_ =	shalt  }
0x4b: {  	_ =	shalt  }
0x4c: {  	_ =	shalt  }
0x4d: {  	_ =	shalt  }
0x4e: {  	_ =	shalt  }
0x4f: {  	_ =	shalt  }
0x50: {  	_ =	shalt  }
0x51: {  	_ =	shalt  }
0x52: {  	_ =	shalt  }
0x53: {  	_ =	shalt  }
0x54: {  	_ =	shalt  }
0x55: {  	_ =	shalt  }
0x56: {  	_ =	shalt  }
0x57: {  	_ =	shalt  }
0x58: {  	_ =	shalt  }
0x59: {  	_ =	shalt  }
0x5a: {  	_ =	shalt  }
0x5b: {  	_ =	shalt  }
0x5c: {  	_ =	shalt  }
0x5d: {  	_ =	shalt  }
0x5e: {  	_ =	shalt  }
0x5f: {  	_ =	shalt  }
0x60: {  	_ =	shalt  }
0x61: {  	_ =	shalt  }
0x62: {  	_ =	shalt  }
0x63: {  	_ =	shalt  }
0x64: {  	_ =	shalt  }
0x65: {  	_ =	shalt  }
0x66: {  	_ =	shalt  }
0x67: {  	_ =	shalt  }
0x68: {  	_ =	shalt  }
0x69: {  	_ =	shalt  }
0x6a: {  	_ =	shalt  }
0x6b: {  	_ =	shalt  }
0x6c: {  	_ =	shalt  }
0x6d: {  	_ =	shalt  }
0x6e: {  	_ =	shalt  }
0x6f: {  	_ =	shalt  }
0x70: {  	_ =	shalt  }
0x71: {  	_ =	shalt  }
0x72: {  	_ =	shalt  }
0x73: {  	_ =	shalt  }
0x74: {  	_ =	shalt  }
0x75: {  	_ =	shalt  }
0x76: {  	_ =	shalt  }
0x77: {  	_ =	shalt  }
0x78: {  	_ =	shalt  }
0x79: {  	_ =	shalt  }
0x7a: {  	_ =	shalt  }
0x7b: {  	_ =	shalt  }
0x7c: {  	_ =	shalt  }
0x7d: {  	_ =	shalt  }
0x7e: {  	_ =	shalt  }
0x7f: {  	_ =	shalt  }
0x80: {  	_ =	shalt  }
0x81: {  	_ =	shalt  }
0x82: {  	_ =	shalt  }
0x83: {  	_ =	shalt  }
0x84: {  	_ =	shalt  }
0x85: {  	_ =	shalt  }
0x86: {  	_ =	shalt  }
0x87: {  	_ =	shalt  }
.Lfunc_end0:
.L_simem_size_0:
called_computation_lowered:
.L_overlay_start_0:
0x88: {  	s2 =	sld [smem:$0x3FD9]  }
0x89: {  	s3 =	sld [smem:$0x3FFE];
	_ =	sdelay $0x1  }
0x8a: {  	s1 =	srdreg.scid  }
0x8b: {  	s0 =	sand.u32 $0x1, s1  }
0x8c: {  	s17 =	sshll.u32 s0, $0xA;
	s2 =	sadd.s32 s3, s2  }
0x8d: {  	s2 =	sadd.s32 s2, s17  }
0x8e: {  	[smem:$0x3FC4] =	sst s2  }
0x8f: {  	_ = 	snop  }
0x90: {  	s2 =	sld [smem:$0x3FD0];
	(tm) =	ssettm $0x1  }
0x91: {  	s18 =	sld [smem:$0x3FFB];
	_ =	sdelay $0x3  }
0x92: {  	_ =	strace s18  }
0x93: {  	s3 =	sld [smem:$0x3FFC];
	_ =	sdelay $0x3  }
0x94: {  	_ =	strace s3  }
0x95: {  	s3 =	sld [smem:$0x3FFD];
	_ =	sdelay $0x3  }
0x96: {  	_ =	strace s3  }
0x97: {  	_ =	strace $0x8FFFFFFF  }
0x98: {  	s19 =	sld [smem:$0x3FDB];
	_ =	sdelay $0x1  }
0x99: {  	s4 =	simm.s32 $_scs_section_size  }
0x9a: {  	s5 =	simm.s32 $_size__tile_overlayer_lowered;
	s6 =	simm.s32 $_tile_overlayer_lowered  }
0x9b: {  	s22 =	simm.s32 $0x1BFF;
	s21 =	sshll.u32 s6, $0x1;
	s3 =	sadd.s32 s4, s19  }
0x9c: {  	s7 =	simm.s32 $0x0;
	s20 =	sshll.u32 s5, $0x1;
	s5 =	sadd.s32 s21, s3  }
0x9d: {  	[timem:s7], [sflag:s22] =	dma.local [hbm:s5], s20  }
0x9e: {  	_ =	swait.ge [sflag:s22], s20  }
0x9f: {  	s4 =	ssub.s32 $0x0, s20;
	[sflag:s22] =	ssyncset.done $0x0  }
0xa0: {  	[sflag:s22] =	ssyncadd.s32 s4;
	_ =	sdelay $0x1  }
0xa1: {  	s23 =	simm.s32 $0x1B8B  }
0xa2: {  	_ =	swait.ge [sflag:s23], $0x1  }
0xa3: {  	[sflag:s23] =	ssyncset.done $0x0  }
0xa4: {  	s25 =	simm.s32 $0x1B8E;
	s24 =	sld [smem:$0x3FFE];
	[sflag:s23] =	ssyncadd.s32 $0xFFFFFFFF  }
0xa5: {  	s26 =	simm.s32 $execute0_lowered;
	[smem:$0x3FD2] =	sst s25  }
0xa6: {  	s5 =	sshll.u32 s26, $0x1;
	_ =	strace $0x80000046;
	[dreg:$0x1] =	wrdreg $0xFFFFFFFF  }
0xa7: {  	s28 =	simm.s32 $_size_execute0_lowered;
	s3 =	sadd.s32 s3, s5;
	[dreg:$0x0] =	wrdreg $0x0  }
0xa8: {  	s5 =	sshll.u32 s28, $0x1;
	[dreg:$0x2] =	wrdreg s3  }
0xa9: {  	[dreg:$0x3] =	wrdreg s5  }
0xaa: {  	[dreg:$0x4] =	wrdreg $0xC0  }
0xab: {  	_ =	task [dreg:s7], $0x5FFFF  }
0xac: {  	[dreg:$0x1] =	wrdreg $0xFFFFFFFF  }
0xad: {  	[dreg:$0x0] =	wrdreg $0x60  }
0xae: {  	[dreg:$0x2] =	wrdreg s2  }
0xaf: {  	[dreg:$0x3] =	wrdreg s24  }
0xb0: {  	[dreg:$0x4] =	wrdreg $0x9  }
0xb1: {  	_ =	task.clear_ibuf [dreg:s7], $0x5FFFF;
	_ =	strace $0x90000046  }
0xb2: {  	s29 =	simm.s32 $0x9;
	_ =	strace $0x80000048  }
0xb3: {  	_ =	swait.ge [sflag:s29], $0x1  }
0xb4: {  	[sflag:s29] =	ssyncadd.s32 $0xFFFFFFFF  }
0xb5: {  	_ =	strace $0x90000048  }
0xb6: {  	_ =	sfence  }
0xb7: {  	s30 =	sld [smem:$0x0];
	_ =	sdelay $0x2  }
0xb8: {  	s31 =	sshll.u32 s1, $0xD;
	s1 =	sshrl.u32 s1, $0x2  }
0xb9: {  	s3 =	sand.u32 $0x4000, s31;
	s1 =	sadd.s32 s1, s30  }
0xba: {  	s0 =	sor.u32 s3, s0;
	s1 =	sshll.u32 s1, $0x11  }
0xbb: {  	s0 =	sor.u32 s1, s0  }
0xbc: {  	s0 =	sadd.s32 $0x8F2B, s0  }
0xbd: {  	[sflag:s0] =	ssyncadd.remote.s32 $0x1  }
0xbe: {  	_ =	sfence.sel $0xFFFF  }
0xbf: {  	[dreg:$0x0] =	wrdreg $0xFFFFFFFF;
	(pc) =	sbr.abs _section_cstart, $3  }
0xc0: {  	[dreg:$0x1] =	wrdreg $0xFFFFFFFF  }
0xc1: {  	_ =	task.clear_ibuf [dreg:s7], $0x2FFFF;
	_ =	strace $0x9FFFFFFF  }
0xc2: {  	(tm) =	ssettm $0x7FFFFFFF  }
0xc3: {  	_ =	shalt  }
tec
execute0_lowered:
.L_overlay_start_1:
0x0: {  	(tag) =	ssettag $0x1  }
0x1: {  	s3 =	rddreg [dreg:$0x0];
	s1 =	srdreg.scid  }
0x2: {  	s0 =	stileid.u32;
	s4 =	rddreg [dreg:$0x1]  }
0x3: {  	s8 =	simm.s32 $0x0;
	s5 =	sand.u32 $0x1, s1;
	s2 =	sshll.u32 s0, $0x1  }
0x4: {  	s6 =	sor.u32 s5, s2;
	s2 =	simm.s32 $0x0;
	s5 =	ssub.s32 $0x2, s5  }
0x5: {  	s6 =	smul.u32 $0x4E2, s6;
	[smem:$0x7FF] =	sst s2;
	s7 =	sshrl.u32 s5, $0x1  }
0x6: {  	s1 =	rddreg [dreg:$0x2];
	_ =	strace $0x80000047;
	s5 =	ssub.s32 s5, s7  }
0x7: {  	s7 =	simm.s32 $0x2710;
	s4 =	sadd.s32 s6, s4;
	s3 =	sadd.s32 s3, s6  }
0x8: {  	v0 =	vimm.f32 $0.0e+00;
	v1 =	vimm.f32 $1.000000000e+00;
	s5 =	smax.u32 s5, $0x1;
	s6 =	simm.s32 $0x1;
	s4 =	sadd.s32 $0xB600, s4  }
.LBB2_1:
0x9: {  	[tilespmem:s2], [sflag:$0x1] =	stream.linear.gather [hbm4b:s3+s2], $0x2710, $0x38;
	[tilespmem:$0x4E30] =	vst v63  }
0xa: {  	_ =	swait.ge [sflag:s6], $0x2710  }
0xb: {  	[sflag:s6] =	ssyncset.done $0x0  }
0xc: {  	s9 =	simm.s32 $0x0;
	[sflag:s6] =	ssyncadd.s32 $0xFFFFD8F0  }
.LBB2_2:
0xd: {  	p0 =	sne.s32 s9, $0x9C40  }
.Ltmp0:
0xe: {  	_ = 	snop;
	(pc) =	sbr.rel @p0 .LBB2_2-.Ltmp0, $3  }
0xf: {  	_ =	sdelay $0x1  }
0x10: {  	s10 =	sshra.s32 s9, $0x2  }
0x11: {  	s9 =	sadd.s32 $0x40, s9;
	[tilespmem:s10+$0x2710] =	vst v0  }
0x12: {  	s10 =	simm.s32 $0x0;
	s9 =	simm.s32 $0x40  }
.LBB2_4:
0x13: {  	p0 =	sne.s32 s9, $0x9C00;
	v2 =	vld [tilespmem:s10+$0x0];
	_ =	sdelay $0x3  }
.Ltmp1:
0x14: {  	(pc) =	sbr.rel @p0 .LBB2_4-.Ltmp1, $2  }
0x15: {  	_ =	sdelay $0x2  }
0x16: {  	s10 =	sshra.s32 s9, $0x2;
	s9 =	sadd.s32 $0x40, s9;
	[tilespmem:v2+s7+$0x0] =	vst.idx.add.f32.msk $0xffff, v1  }
0x17: {  	v2 =	vld [tilespmem:s10+$0x0];
	_ =	sdelay $0x5  }
0x18: {  	s8 =	sadd.s32 $0x1, s8  }
0x19: {  	p0 =	sne.s32 s8, s5  }
.Ltmp2:
0x1a: {  	[tilespmem:v2+s7+$0x0] =	vst.idx.add.f32.msk $0xffff, v1;
	(pc) =	sbr.rel @p0 .LBB2_1-.Ltmp2, $4  }
0x1b: {  	[hbm4b:s4+s2] =	stream.linear.scatter [tilespmem:s7], [sflag:$0x1], $0x2710, $0x38;
	[tilespmem:$0x4E30] =	vst v63  }
0x1c: {  	_ =	swait.ge [sflag:s6], $0x2710  }
0x1d: {  	[sflag:s6] =	ssyncset.done $0x0  }
0x1e: {  	[sflag:s6] =	ssyncadd.s32 $0xFFFFD8F0  }
0x1f: {  	_ =	sfence.sel $0x180000  }
0x20: {  	[bflag:$0x0] =	sbarrier.arrive $0xFFFF  }
0x21: {  	p0 =	sne.s32 s0, $0x0;
	_ =	strace $0x90000047  }
0x22: {  	s0 =	sadd.s32 @!p0 $0x100000, s1;
	[bflag:$0x2] =	sbarrier.arrive $0xFFFF  }
0x23: {  	[sflag:s0] =	ssyncadd.tile.s32 @!p0 $0x1;
	_ =	shalt  }
.Lfunc_end2:
_tile_overlayer_lowered:
.L_overlay_start_2:
0x24: {  	(tag) =	ssettag $0x2  }
0x25: {  	s0 =	rddreg [dreg:$0x0];
	s2 =	stileid.u32  }
0x26: {  	s1 =	rddreg [dreg:$0x1];
	p0 =	sne.s32 s2, $0x0  }
0x27: {  	s3 =	rddreg [dreg:$0x2];
	[bflag:$0x3] =	sbarrier.arrive $0xFFFF;
	s2 =	simm.s32 @!p0 $0x1C01  }
0x28: {  	[timem:s3], [sflag:s2] =	dma.local @!p0 [hbm:s0], s1  }
0x29: {  	s0 =	simm.s32 @!p0 $0x1  }
0x2a: {  	_ =	swait.ge @!p0 [sflag:s0], s1  }
0x2b: {  	s1 =	ssub.s32 @!p0 $0x0, s1;
	[sflag:s0] =	ssyncset.done @!p0 $0x0  }
0x2c: {  	[sflag:s0] =	ssyncadd.s32 @!p0 s1  }
0x2d: {  	[bflag:$0x3] =	sbarrier.arrive $0xFFFF  }
0x2e: {  	_ =	shalt  }

// kernel: kernel.9.cloned.1.call-start
scs
__scs_entry_jumppad:
0x0: {  	(pc) =	sbr.rel $0x88, $3  }
0x1: {  	(tag) =	ssettag $0x0;
	lr =	simm.s32 $0x1  }
0x2: {  	[smem:$0x3F9D] =	sst lr;
	_ =	strace $0xD0000000  }
0x3: {  	_ = 	snop  }
0x4: {  	_ = 	snop  }
0x5: {  	_ = 	snop  }
0x6: {  	_ = 	snop  }
0x7: {  	_ = 	snop  }
__scs_overlays_trampoline_lowered:
0x8: {  	[smem:$0x3FAC] =	sst s0  }
0x9: {  	[smem:$0x3FAD] =	sst s1  }
0xa: {  	[smem:$0x3FAE] =	sst s2  }
0xb: {  	[smem:$0x3FAF] =	sst s3  }
0xc: {  	[smem:$0x3FB0] =	sst s4  }
0xd: {  	[smem:$0x3FB1] =	sst s5  }
0xe: {  	[smem:$0x3FB2] =	sst s6  }
0xf: {  	[smem:$0x3FB3] =	sst s7  }
0x10: {  	[smem:$0x3FB4] =	sst s8  }
0x11: {  	[smem:$0x3FB5] =	sst s9;
	s0 =	simm.s32 @!p0 $0x0  }
0x12: {  	s1 =	sld [smem:$0x3F9B];
	s0 =	simm.s32 @p0 $0x1  }
0x13: {  	[smem:$0x3FB6] =	sst s0;
	s0 =	simm.s32 @!p1 $0x0  }
0x14: {  	s2 =	sld [smem:$0x3F9A];
	s0 =	simm.s32 @p1 $0x1  }
0x15: {  	[smem:$0x3FB7] =	sst s0;
	s0 =	simm.s32 @!p2 $0x0  }
0x16: {  	s3 =	sld [smem:$0x3FDB];
	s0 =	simm.s32 @p2 $0x1  }
0x17: {  	s4 =	simm.s32 $0x1BF5;
	[smem:$0x3FB9] =	sst s0  }
0x18: {  	s0 =	sld [smem:$0x3F9C];
	_ =	swait.ge [sflag:s4], $0x0  }
0x19: {  	s7 =	sld [smem:$0x3F9D]  }
0x1a: {  	s8 =	sadd.s32 $0xFFFFE003, lr  }
0x1b: {  	s9 =	sadd.s32 $0xFFFFFEF7, lr;
	s5 =	simm.s32 $0xFFFFFFFF;
	p2 =	slt.u32 s8, $0xFFFFF086  }
0x1c: {  	p1 =	slt.u32 s9, $0xF7A;
	s5 =	simm.s32 @!p2 $0x0  }
0x1d: {  	s5 =	simm.s32 @p1 $0x1;
	p0 =	seq.s32 s7, s2  }
0x1e: {  	s7 =	smul.u32 @!p0 $0xF7A, s2;
	p2 =	seq.s32 @!p0 s5, $0x0  }
0x1f: {  	s9 =	smul.u32 $0xF7A, s1;
	s8 =	simm.s32 @!p0 $0x1BF5;
	p2 =	por !p2, p0  }
0x20: {  	[sflag:s8] =	ssyncset.s32 @!p0 $0xFFFFF086;
	s6 =	sadd.s32 @!p0 s3, s7;
	s7 =	simm.s32 @!p0 $0x108  }
0x21: {  	s3 =	sadd.s32 s3, s9;
	s6 =	sadd.s32 @!p0 $0x88, s6;
	s7 =	simm.s32 @p2 $0x1082  }
0x22: {  	[simem:s7], [sflag:s8] =	dma.local @!p0 [hbm:s6], $0xF7A  }
0x23: {  	s9 =	sor.u32 $0xD0000000, s2;
	s6 =	simm.s32 $0x108;
	_ =	swait.ge @!p0 [sflag:s8], $0x0  }
0x24: {  	s3 =	sadd.s32 $0x88, s3;
	s6 =	simm.s32 @!p1 $0x1082;
	[sflag:s4] =	ssyncset.s32 $0xFFFFF086  }
0x25: {  	[simem:s6], [sflag:s4] =	dma.local [hbm:s3], $0xF7A  }
0x26: {  	[smem:$0x3F9D] =	sst s1;
	(tag) =	ssettag s2;
	_ =	strace s9  }
0x27: {  	s1 =	sld [smem:$0x3FAD]  }
0x28: {  	s2 =	sld [smem:$0x3FAE]  }
0x29: {  	s4 =	sld [smem:$0x3FB0]  }
0x2a: {  	p0 =	seq.s32 s5, $0x0;
	s5 =	sld [smem:$0x3FB1]  }
0x2b: {  	s6 =	sld [smem:$0x3FB2]  }
0x2c: {  	s7 =	sld [smem:$0x3FB3]  }
0x2d: {  	s3 =	simm.s32 $0x108;
	s8 =	sld [smem:$0x3FB4]  }
0x2e: {  	s3 =	simm.s32 @!p0 $0x1082;
	s9 =	sld [smem:$0x3FB5]  }
0x2f: {  	lr =	sadd.s32 s0, s3;
	s0 =	sld [smem:$0x3FAC]  }
0x30: {  	s3 =	sld [smem:$0x3FAF]  }
0x31: {  	[smem:$0x3FB8] =	sst s10  }
0x32: {  	s10 =	sld [smem:$0x3FB6];
	_ =	sdelay $0x3  }
0x33: {  	p0 =	seq.s32 s10, $0x1;
	s10 =	sld [smem:$0x3FB8];
	_ =	sdelay $0x3  }
0x34: {  	[smem:$0x3FB8] =	sst s10  }
0x35: {  	s10 =	sld [smem:$0x3FB7];
	_ =	sdelay $0x3  }
0x36: {  	p1 =	seq.s32 s10, $0x1;
	s10 =	sld [smem:$0x3FB8];
	_ =	sdelay $0x3  }
0x37: {  	[smem:$0x3FB8] =	sst s10  }
0x38: {  	s10 =	sld [smem:$0x3FB9]  }
0x39: {  	_ = 	snop;
	(pc) =	sbr.ind lr, $3  }
0x3a: {  	_ = 	snop  }
0x3b: {  	_ = 	snop  }
0x3c: {  	p2 =	seq.s32 s10, $0x1;
	s10 =	sld [smem:$0x3FB8]  }
0x3d: {  	_ =	shalt  }
0x3e: {  	_ =	shalt  }
0x3f: {  	_ =	shalt  }
0x40: {  	_ =	shalt  }
0x41: {  	_ =	shalt  }
0x42: {  	_ =	shalt  }
0x43: {  	_ =	shalt  }
0x44: {  	_ =	shalt  }
0x45: {  	_ =	shalt  }
0x46: {  	_ =	shalt  }
0x47: {  	_ =	shalt  }
0x48: {  	_ =	shalt  }
0x49: {  	_ =	shalt  }
0x4a: {  	_ =	shalt  }
0x4b: {  	_ =	shalt  }
0x4c: {  	_ =	shalt  }
0x4d: {  	_ =	shalt  }
0x4e: {  	_ =	shalt  }
0x4f: {  	_ =	shalt  }
0x50: {  	_ =	shalt  }
0x51: {  	_ =	shalt  }
0x52: {  	_ =	shalt  }
0x53: {  	_ =	shalt  }
0x54: {  	_ =	shalt  }
0x55: {  	_ =	shalt  }
0x56: {  	_ =	shalt  }
0x57: {  	_ =	shalt  }
0x58: {  	_ =	shalt  }
0x59: {  	_ =	shalt  }
0x5a: {  	_ =	shalt  }
0x5b: {  	_ =	shalt  }
0x5c: {  	_ =	shalt  }
0x5d: {  	_ =	shalt  }
0x5e: {  	_ =	shalt  }
0x5f: {  	_ =	shalt  }
0x60: {  	_ =	shalt  }
0x61: {  	_ =	shalt  }
0x62: {  	_ =	shalt  }
0x63: {  	_ =	shalt  }
0x64: {  	_ =	shalt  }
0x65: {  	_ =	shalt  }
0x66: {  	_ =	shalt  }
0x67: {  	_ =	shalt  }
0x68: {  	_ =	shalt  }
0x69: {  	_ =	shalt  }
0x6a: {  	_ =	shalt  }
0x6b: {  	_ =	shalt  }
0x6c: {  	_ =	shalt  }
0x6d: {  	_ =	shalt  }
0x6e: {  	_ =	shalt  }
0x6f: {  	_ =	shalt  }
0x70: {  	_ =	shalt  }
0x71: {  	_ =	shalt  }
0x72: {  	_ =	shalt  }
0x73: {  	_ =	shalt  }
0x74: {  	_ =	shalt  }
0x75: {  	_ =	shalt  }
0x76: {  	_ =	shalt  }
0x77: {  	_ =	shalt  }
0x78: {  	_ =	shalt  }
0x79: {  	_ =	shalt  }
0x7a: {  	_ =	shalt  }
0x7b: {  	_ =	shalt  }
0x7c: {  	_ =	shalt  }
0x7d: {  	_ =	shalt  }
0x7e: {  	_ =	shalt  }
0x7f: {  	_ =	shalt  }
0x80: {  	_ =	shalt  }
0x81: {  	_ =	shalt  }
0x82: {  	_ =	shalt  }
0x83: {  	_ =	shalt  }
0x84: {  	_ =	shalt  }
0x85: {  	_ =	shalt  }
0x86: {  	_ =	shalt  }
0x87: {  	_ =	shalt  }
.Lfunc_end0:
.L_simem_size_0:
called_computation.1_lowered:
.L_overlay_start_0:
0x88: {  	s2 =	sld [smem:$0x3FD9]  }
0x89: {  	s3 =	sld [smem:$0x3FFE];
	_ =	sdelay $0x1  }
0x8a: {  	s1 =	srdreg.scid  }
0x8b: {  	s0 =	sand.u32 $0x1, s1  }
0x8c: {  	s17 =	sshll.u32 s0, $0xA;
	s2 =	sadd.s32 s3, s2  }
0x8d: {  	s2 =	sadd.s32 s2, s17  }
0x8e: {  	[smem:$0x3FC4] =	sst s2  }
0x8f: {  	_ = 	snop  }
0x90: {  	s2 =	sld [smem:$0x3FD0];
	(tm) =	ssettm $0x1  }
0x91: {  	s18 =	sld [smem:$0x3FFB];
	_ =	sdelay $0x3  }
0x92: {  	_ =	strace s18  }
0x93: {  	s3 =	sld [smem:$0x3FFC];
	_ =	sdelay $0x3  }
0x94: {  	_ =	strace s3  }
0x95: {  	s3 =	sld [smem:$0x3FFD];
	_ =	sdelay $0x3  }
0x96: {  	_ =	strace s3  }
0x97: {  	_ =	strace $0x8FFFFFFF  }
0x98: {  	s19 =	sld [smem:$0x3FDB];
	_ =	sdelay $0x1  }
0x99: {  	s4 =	simm.s32 $_scs_section_size  }
0x9a: {  	s5 =	simm.s32 $_size__tile_overlayer_lowered;
	s6 =	simm.s32 $_tile_overlayer_lowered  }
0x9b: {  	s22 =	simm.s32 $0x1BFF;
	s21 =	sshll.u32 s6, $0x1;
	s3 =	sadd.s32 s4, s19  }
0x9c: {  	s7 =	simm.s32 $0x0;
	s20 =	sshll.u32 s5, $0x1;
	s5 =	sadd.s32 s21, s3  }
0x9d: {  	[timem:s7], [sflag:s22] =	dma.local [hbm:s5], s20  }
0x9e: {  	_ =	swait.ge [sflag:s22], s20  }
0x9f: {  	s4 =	ssub.s32 $0x0, s20;
	[sflag:s22] =	ssyncset.done $0x0  }
0xa0: {  	[sflag:s22] =	ssyncadd.s32 s4;
	_ =	sdelay $0x1  }
0xa1: {  	s23 =	simm.s32 $0x1B8B  }
0xa2: {  	_ =	swait.ge [sflag:s23], $0x1  }
0xa3: {  	[sflag:s23] =	ssyncset.done $0x0  }
0xa4: {  	s25 =	simm.s32 $0x1B8E;
	s24 =	sld [smem:$0x3FFE];
	[sflag:s23] =	ssyncadd.s32 $0xFFFFFFFF  }
0xa5: {  	s26 =	simm.s32 $execute0_lowered;
	[smem:$0x3FD2] =	sst s25  }
0xa6: {  	s5 =	sshll.u32 s26, $0x1;
	_ =	strace $0x80000049;
	[dreg:$0x1] =	wrdreg $0xFFFFFFFF  }
0xa7: {  	s28 =	simm.s32 $_size_execute0_lowered;
	s3 =	sadd.s32 s3, s5;
	[dreg:$0x0] =	wrdreg $0x0  }
0xa8: {  	s5 =	sshll.u32 s28, $0x1;
	[dreg:$0x2] =	wrdreg s3  }
0xa9: {  	[dreg:$0x3] =	wrdreg s5  }
0xaa: {  	[dreg:$0x4] =	wrdreg $0xC0  }
0xab: {  	_ =	task [dreg:s7], $0x5FFFF  }
0xac: {  	[dreg:$0x1] =	wrdreg $0xFFFFFFFF  }
0xad: {  	[dreg:$0x0] =	wrdreg $0x60  }
0xae: {  	[dreg:$0x2] =	wrdreg s24  }
0xaf: {  	[dreg:$0x3] =	wrdreg s2  }
0xb0: {  	[dreg:$0x4] =	wrdreg $0x196800  }
0xb1: {  	[dreg:$0x5] =	wrdreg $0x5DC00  }
0xb2: {  	[dreg:$0x6] =	wrdreg $0x9  }
0xb3: {  	_ =	task.clear_ibuf [dreg:s7], $0x7FFFF;
	_ =	strace $0x90000049  }
0xb4: {  	s29 =	simm.s32 $0x9;
	_ =	strace $0x8000004B  }
0xb5: {  	_ =	swait.ge [sflag:s29], $0x1  }
0xb6: {  	[sflag:s29] =	ssyncadd.s32 $0xFFFFFFFF  }
0xb7: {  	_ =	strace $0x9000004B  }
0xb8: {  	_ =	sfence  }
0xb9: {  	s30 =	sld [smem:$0x0];
	_ =	sdelay $0x2  }
0xba: {  	s31 =	sshll.u32 s1, $0xD;
	s1 =	sshrl.u32 s1, $0x2  }
0xbb: {  	s3 =	sand.u32 $0x4000, s31;
	s1 =	sadd.s32 s1, s30  }
0xbc: {  	s0 =	sor.u32 s3, s0;
	s1 =	sshll.u32 s1, $0x11  }
0xbd: {  	s0 =	sor.u32 s1, s0  }
0xbe: {  	s0 =	sadd.s32 $0x8F2B, s0  }
0xbf: {  	[sflag:s0] =	ssyncadd.remote.s32 $0x1  }
0xc0: {  	_ =	sfence.sel $0xFFFF  }
0xc1: {  	[dreg:$0x0] =	wrdreg $0xFFFFFFFF;
	(pc) =	sbr.abs _section_cstart, $3  }
0xc2: {  	[dreg:$0x1] =	wrdreg $0xFFFFFFFF  }
0xc3: {  	_ =	task.clear_ibuf [dreg:s7], $0x2FFFF;
	_ =	strace $0x9FFFFFFF  }
0xc4: {  	(tm) =	ssettm $0x7FFFFFFF  }
0xc5: {  	_ =	shalt  }
tec
execute0_lowered:
.L_overlay_start_1:
0x0: {  	(tag) =	ssettag $0x1  }
0x1: {  	s5 =	rddreg [dreg:$0x0]  }
0x2: {  	s1 =	srdreg.scid;
	s10 =	rddreg [dreg:$0x1]  }
0x3: {  	s0 =	stileid.u32;
	s6 =	rddreg [dreg:$0x2]  }
0x4: {  	s3 =	simm.s32 $0x0;
	s17 =	simm.s32 $0x5140;
	s18 =	simm.s32 $0x3  }
0x5: {  	s19 =	simm.s32 $0x1;
	s20 =	simm.s32 $0x2;
	s21 =	simm.s32 $0xA0  }
0x6: {  	s22 =	simm.s32 $0x50;
	s23 =	simm.s32 $0x140;
	s24 =	simm.s32 $0xF0  }
0x7: {  	s26 =	simm.s32 $0x2940;
	s28 =	simm.s32 $0x0;
	s12 =	smul.u32 $0x13880, s0  }
0x8: {  	s1 =	sand.u32 $0x1, s1;
	s2 =	sshll.u32 s0, $0x1;
	s14 =	smul.u32 $0x4E200, s0  }
0x9: {  	[smem:$0x7FF] =	sst s3;
	s2 =	sor.u32 s1, s2;
	s4 =	smul.u32 $0x138800, s1  }
0xa: {  	s1 =	ssub.s32 $0x2, s1;
	s11 =	smul.u32 $0x4E2, s2;
	s2 =	rddreg [dreg:$0x3]  }
0xb: {  	_ =	strace $0x8000004A;
	s29 =	sshrl.u32 s1, $0x1;
	s30 =	sshrl.u32 s12, $0x2  }
0xc: {  	s31 =	sshrl.u32 s14, $0x2;
	s8 =	sadd.s32 s12, s4;
	s4 =	sadd.s32 $0xB600, s5  }
0xd: {  	s1 =	ssub.s32 s1, s29;
	s25 =	sadd.s32 s12, s2;
	s7 =	sadd.s32 s11, s5  }
0xe: {  	s8 =	sshrl.u32 s8, $0x3;
	s10 =	sadd.s32 s10, s11;
	s12 =	smax.u32 s1, $0x1  }
0xf: {  	s13 =	sadd.s32 s8, s5;
	s5 =	sadd.s32 s30, s6;
	s6 =	sshll.u32 s0, $0x6  }
0x10: {  	s25 =	sshrl.u32 s25, $0x3;
	s7 =	sadd.s32 $0x1800, s7;
	s8 =	sor.u32 $0x1C01, s6  }
0x11: {  	s9 =	sadd.s32 $0x2710, s5;
	s11 =	sadd.s32 $0x32800, s13;
	s13 =	sadd.s32 s31, s2  }
0x12: {  	v0 =	vimm.f32 $0.0e+00;
	s14 =	sshrl.u32 s5, $0x3;
	s15 =	sor.u32 $0x1C02, s6;
	s16 =	sshrl.u32 s9, $0x3  }
.LBB2_1:
0x13: {  	[spmem:s14], [sflag:s8] =	dma.local [hbm:s7], $0x4E2  }
0x14: {  	s29 =	simm.s32 $0x0;
	s30 =	simm.s32 $0x200  }
0x15: {  	[spmem:s16], [sflag:s15] =	dma.local [hbm:s10], $0x4E2  }
.LBB2_2:
0x16: {  	p0 =	seq.s32 s30, $0x3000;
	[tilespmem:s29+$0x51B0] =	vst v0  }
0x17: {  	[tilespmem:s29+$0x5140] =	vst v0  }
0x18: {  	[tilespmem:s29+$0x5150] =	vst v0  }
.Ltmp0:
0x19: {  	[tilespmem:s29+$0x5160] =	vst v0;
	(pc) =	sbr.rel @!p0 .LBB2_2-.Ltmp0, $4  }
0x1a: {  	[tilespmem:s29+$0x5170] =	vst v0  }
0x1b: {  	[tilespmem:s29+$0x5180] =	vst v0  }
0x1c: {  	[tilespmem:s29+$0x5190] =	vst v0  }
0x1d: {  	[tilespmem:s29+$0x51A0] =	vst v0;
	s29 =	sshra.s32 s30, $0x2;
	s30 =	sadd.s32 $0x200, s30  }
0x1e: {  	[tilespmem:s29+$0x51B0] =	vst v0  }
0x1f: {  	[tilespmem:s29+$0x5140] =	vst v0  }
0x20: {  	[tilespmem:s29+$0x5150] =	vst v0  }
0x21: {  	[tilespmem:s29+$0x5160] =	vst v0  }
0x22: {  	[tilespmem:s29+$0x5170] =	vst v0  }
0x23: {  	[tilespmem:s29+$0x5180] =	vst v0  }
0x24: {  	[tilespmem:s29+$0x5190] =	vst v0  }
0x25: {  	[tilespmem:s29+$0x51A0] =	vst v0;
	s1 =	sadd.s32 $0x0, s13  }
0x26: {  	[spmem:s1] =	stream.linear.scatter [tilespmem:s17], [sflag:$0x3], $0xC80, $0x38;
	[tilespmem:$0x1E4A0] =	vst v63  }
0x27: {  	s29 =	simm.s32 $0x3200;
	_ =	swait.ge [sflag:s18], $0xC80  }
.LBB2_4:
0x28: {  	s1 =	sshra.s32 s29, $0x2;
	[sflag:s18] =	ssyncset.done $0x0;
	p0 =	sne.s32 s29, $0x4B000  }
.Ltmp1:
0x29: {  	s1 =	sadd.s32 s1, s13;
	[sflag:s18] =	ssyncadd.s32 $0xFFFFF380;
	(pc) =	sbr.rel @p0 .LBB2_4-.Ltmp1, $3  }
0x2a: {  	[spmem:s1] =	stream.linear.scatter [tilespmem:s17], [sflag:$0x3], $0xC80, $0x38;
	[tilespmem:$0x1E4A0] =	vst v63  }
0x2b: {  	s29 =	sadd.s32 $0x3200, s29;
	_ =	sdelay $0x1  }
0x2c: {  	_ =	swait.ge [sflag:s18], $0xC80  }
0x2d: {  	[sflag:s18] =	ssyncset.done $0x0  }
0x2e: {  	[sflag:s18] =	ssyncadd.s32 $0xFFFFF380  }
0x2f: {  	_ =	swait.ge [sflag:s19], $0x4E2  }
0x30: {  	[sflag:s19] =	ssyncset.done $0x0  }
0x31: {  	[sflag:s19] =	ssyncadd.s32 $0xFFFFFB1E  }
0x32: {  	_ =	swait.ge [sflag:s20], $0x4E2  }
0x33: {  	[sflag:s20] =	ssyncset.done $0x0  }
0x34: {  	[sflag:s20] =	ssyncadd.s32 $0xFFFFFB1E  }
0x35: {  	s1 =	simm.s32 $0x0;
	[bflag:$0x0] =	sbarrier.arrive $0xFFFF  }
0x36: {  	[tilespmem:s1], [sflag:$0x3] =	stream.linear.gather [spmem:s5], $0x50, $0x38;
	[tilespmem:$0x1E4A0] =	vst v63  }
0x37: {  	_ =	swait.ge [sflag:s18], $0x50  }
0x38: {  	[sflag:s18] =	ssyncset.done $0x0  }
0x39: {  	[sflag:s18] =	ssyncadd.s32 $0xFFFFFFB0  }
0x3a: {  	[tilespmem:s21], [sflag:$0x3] =	stream.linear.gather [spmem:s9], $0x50, $0x38;
	[tilespmem:$0x1E4A0] =	vst v63  }
0x3b: {  	_ =	swait.ge [sflag:s18], $0x50  }
0x3c: {  	[sflag:s18] =	ssyncset.done $0x0  }
0x3d: {  	s31 =	sadd.s32 $0x0, s5;
	[sflag:s18] =	ssyncadd.s32 $0xFFFFFFB0  }
0x3e: {  	[tilespmem:s23], [sflag:$0x1] =	stream.indirect.gather [hbm4b:s4+s22], $0x80, s1, s22, $0xb8;
	[tilespmem:$0x1E4A0] =	vst v63  }
0x3f: {  	s29 =	sadd.s32 $0x50, s31  }
0x40: {  	[tilespmem:s22], [sflag:$0x3] =	stream.linear.gather [spmem:s29], $0x50, $0x38;
	[tilespmem:$0x1E4A0] =	vst v63  }
0x41: {  	_ =	swait.ge [sflag:s18], $0x50  }
0x42: {  	[sflag:s18] =	ssyncset.done $0x0  }
0x43: {  	s29 =	sadd.s32 $0x2760, s31;
	[sflag:s18] =	ssyncadd.s32 $0xFFFFFFB0  }
0x44: {  	[tilespmem:s24], [sflag:$0x3] =	stream.linear.gather [spmem:s29], $0x50, $0x38;
	[tilespmem:$0x1E4A0] =	vst v63  }
0x45: {  	_ =	swait.ge [sflag:s18], $0x50  }
0x46: {  	[sflag:s18] =	ssyncset.done $0x0  }
0x47: {  	[sflag:s18] =	ssyncadd.s32 $0xFFFFFFB0  }
0x48: {  	[tilespmem:s26], [sflag:$0x2] =	stream.indirect.gather [hbm4b:s4+s22], $0x80, s22, s22, $0xb8;
	[tilespmem:$0x1E4A0] =	vst v63  }
0x49: {  	_ =	swait.ge [sflag:s19], $0x2800  }
0x4a: {  	[sflag:s19] =	ssyncset.done $0x0  }
0x4b: {  	[sflag:s19] =	ssyncadd.s32 $0xFFFFD800  }
0x4c: {  	[spmem:s2] =	stream.indirect.scatter.add.f32 [tilespmem:s23], [sflag:$0x3], $0x80, s21, s22, $0xb8;
	[tilespmem:$0x1E4A0] =	vst v63  }
0x4d: {  	_ =	swait.ge [sflag:s18], $0x2800  }
0x4e: {  	[sflag:s18] =	ssyncset.done $0x0  }
0x4f: {  	s29 =	sadd.s32 $0xA0, s31;
	[sflag:s18] =	ssyncadd.s32 $0xFFFFD800  }
0x50: {  	[tilespmem:s3], [sflag:$0x3] =	stream.linear.gather [spmem:s29], $0x50, $0x38;
	[tilespmem:$0x1E4A0] =	vst v63  }
0x51: {  	_ =	swait.ge [sflag:s18], $0x50  }
0x52: {  	[sflag:s18] =	ssyncset.done $0x0  }
0x53: {  	s1 =	sadd.s32 $0x27B0, s31;
	[sflag:s18] =	ssyncadd.s32 $0xFFFFFFB0  }
0x54: {  	[tilespmem:s21], [sflag:$0x3] =	stream.linear.gather [spmem:s1], $0x50, $0x38;
	[tilespmem:$0x1E4A0] =	vst v63  }
0x55: {  	_ =	swait.ge [sflag:s18], $0x50  }
0x56: {  	[sflag:s18] =	ssyncset.done $0x0  }
0x57: {  	[sflag:s18] =	ssyncadd.s32 $0xFFFFFFB0  }
0x58: {  	[tilespmem:s23], [sflag:$0x1] =	stream.indirect.gather [hbm4b:s4+s22], $0x80, s3, s22, $0xb8;
	[tilespmem:$0x1E4A0] =	vst v63  }
0x59: {  	_ =	swait.ge [sflag:s20], $0x2800  }
0x5a: {  	[sflag:s20] =	ssyncset.done $0x0  }
0x5b: {  	[sflag:s20] =	ssyncadd.s32 $0xFFFFD800  }
0x5c: {  	[spmem:s2] =	stream.indirect.scatter.add.f32 [tilespmem:s26], [sflag:$0x3], $0x80, s24, s22, $0xb8;
	[tilespmem:$0x1E4A0] =	vst v63  }
0x5d: {  	_ =	swait.ge [sflag:s18], $0x2800  }
0x5e: {  	s30 =	simm.s32 $0x500;
	s29 =	sadd.s32 $0xA0, s5;
	[sflag:s18] =	ssyncset.done $0x0  }
.LBB2_6:
0x5f: {  	s0 =	sadd.s32 $0x50, s29  }
0x60: {  	[sflag:s18] =	ssyncadd.s32 $0xFFFFD800;
	s31 =	smov.u32 s30;
	s1 =	sadd.s32 $0x280, s30  }
0x61: {  	[tilespmem:s22], [sflag:$0x3] =	stream.linear.gather [spmem:s0], $0x50, $0x38;
	[tilespmem:$0x1E4A0] =	vst v63  }
0x62: {  	p0 =	sne.s32 s30, $0x9880;
	_ =	swait.ge [sflag:s18], $0x50  }
0x63: {  	[sflag:s18] =	ssyncset.done $0x0  }
0x64: {  	s0 =	sadd.s32 $0x2760, s29;
	[sflag:s18] =	ssyncadd.s32 $0xFFFFFFB0  }
0x65: {  	[tilespmem:s24], [sflag:$0x3] =	stream.linear.gather [spmem:s0], $0x50, $0x38;
	[tilespmem:$0x1E4A0] =	vst v63  }
0x66: {  	_ =	swait.ge [sflag:s18], $0x50  }
0x67: {  	[sflag:s18] =	ssyncset.done $0x0  }
0x68: {  	[sflag:s18] =	ssyncadd.s32 $0xFFFFFFB0  }
0x69: {  	[tilespmem:s26], [sflag:$0x2] =	stream.indirect.gather [hbm4b:s4+s22], $0x80, s22, s22, $0xb8;
	[tilespmem:$0x1E4A0] =	vst v63  }
0x6a: {  	_ =	swait.ge [sflag:s19], $0x2800  }
0x6b: {  	[sflag:s19] =	ssyncset.done $0x0  }
0x6c: {  	[sflag:s19] =	ssyncadd.s32 $0xFFFFD800  }
0x6d: {  	[spmem:s2] =	stream.indirect.scatter.add.f32 [tilespmem:s23], [sflag:$0x3], $0x80, s21, s22, $0xb8;
	[tilespmem:$0x1E4A0] =	vst v63  }
0x6e: {  	_ =	swait.ge [sflag:s18], $0x2800  }
0x6f: {  	[sflag:s18] =	ssyncset.done $0x0  }
0x70: {  	s0 =	sadd.s32 $0xA0, s29;
	[sflag:s18] =	ssyncadd.s32 $0xFFFFD800  }
0x71: {  	[tilespmem:s3], [sflag:$0x3] =	stream.linear.gather [spmem:s0], $0x50, $0x38;
	[tilespmem:$0x1E4A0] =	vst v63  }
0x72: {  	_ =	swait.ge [sflag:s18], $0x50  }
0x73: {  	[sflag:s18] =	ssyncset.done $0x0  }
0x74: {  	s0 =	sadd.s32 $0x27B0, s29;
	[sflag:s18] =	ssyncadd.s32 $0xFFFFFFB0  }
0x75: {  	[tilespmem:s21], [sflag:$0x3] =	stream.linear.gather [spmem:s0], $0x50, $0x38;
	[tilespmem:$0x1E4A0] =	vst v63  }
0x76: {  	_ =	swait.ge [sflag:s18], $0x50  }
0x77: {  	[sflag:s18] =	ssyncset.done $0x0  }
0x78: {  	[sflag:s18] =	ssyncadd.s32 $0xFFFFFFB0  }
0x79: {  	[tilespmem:s23], [sflag:$0x1] =	stream.indirect.gather [hbm4b:s4+s22], $0x80, s3, s22, $0xb8;
	[tilespmem:$0x1E4A0] =	vst v63  }
0x7a: {  	_ =	swait.ge [sflag:s20], $0x2800  }
.Ltmp2:
0x7b: {  	[sflag:s20] =	ssyncset.done $0x0;
	(pc) =	sbr.rel @p0 .LBB2_6-.Ltmp2, $4  }
0x7c: {  	[sflag:s20] =	ssyncadd.s32 $0xFFFFD800  }
0x7d: {  	[spmem:s2] =	stream.indirect.scatter.add.f32 [tilespmem:s26], [sflag:$0x3], $0x80, s24, s22, $0xb8;
	[tilespmem:$0x1E4A0] =	vst v63  }
0x7e: {  	s0 =	sshra.s32 s31, $0x2;
	_ =	swait.ge [sflag:s18], $0x2800  }
0x7f: {  	s30 =	smov.u32 s1;
	s29 =	sadd.s32 s0, s5;
	[sflag:s18] =	ssyncset.done $0x0  }
0x80: {  	s0 =	sadd.s32 $0x50, s29;
	[sflag:s18] =	ssyncadd.s32 $0xFFFFD800  }
0x81: {  	[tilespmem:s22], [sflag:$0x3] =	stream.linear.gather [spmem:s0], $0x50, $0x38;
	[tilespmem:$0x1E4A0] =	vst v63  }
0x82: {  	_ =	swait.ge [sflag:s18], $0x50  }
0x83: {  	[sflag:s18] =	ssyncset.done $0x0  }
0x84: {  	s31 =	sadd.s32 $0x2760, s29;
	[sflag:s18] =	ssyncadd.s32 $0xFFFFFFB0  }
0x85: {  	[tilespmem:s24], [sflag:$0x3] =	stream.linear.gather [spmem:s31], $0x50, $0x38;
	[tilespmem:$0x1E4A0] =	vst v63  }
0x86: {  	_ =	swait.ge [sflag:s18], $0x50  }
0x87: {  	[sflag:s18] =	ssyncset.done $0x0  }
0x88: {  	[sflag:s18] =	ssyncadd.s32 $0xFFFFFFB0  }
0x89: {  	[tilespmem:s26], [sflag:$0x2] =	stream.indirect.gather [hbm4b:s4+s22], $0x80, s22, s22, $0xb8;
	[tilespmem:$0x1E4A0] =	vst v63  }
0x8a: {  	_ =	swait.ge [sflag:s19], $0x2800  }
0x8b: {  	[sflag:s19] =	ssyncset.done $0x0  }
0x8c: {  	[sflag:s19] =	ssyncadd.s32 $0xFFFFD800  }
0x8d: {  	[spmem:s2] =	stream.indirect.scatter.add.f32 [tilespmem:s23], [sflag:$0x3], $0x80, s21, s22, $0xb8;
	[tilespmem:$0x1E4A0] =	vst v63  }
0x8e: {  	_ =	swait.ge [sflag:s18], $0x2800  }
0x8f: {  	[sflag:s18] =	ssyncset.done $0x0  }
0x90: {  	s1 =	sadd.s32 $0xA0, s29;
	[sflag:s18] =	ssyncadd.s32 $0xFFFFD800  }
0x91: {  	[tilespmem:s3], [sflag:$0x3] =	stream.linear.gather [spmem:s1], $0x50, $0x38;
	[tilespmem:$0x1E4A0] =	vst v63  }
0x92: {  	_ =	swait.ge [sflag:s18], $0x50  }
0x93: {  	[sflag:s18] =	ssyncset.done $0x0  }
0x94: {  	s30 =	sadd.s32 $0x27B0, s29;
	[sflag:s18] =	ssyncadd.s32 $0xFFFFFFB0  }
0x95: {  	[tilespmem:s21], [sflag:$0x3] =	stream.linear.gather [spmem:s30], $0x50, $0x38;
	[tilespmem:$0x1E4A0] =	vst v63  }
0x96: {  	_ =	swait.ge [sflag:s18], $0x50  }
0x97: {  	[sflag:s18] =	ssyncset.done $0x0  }
0x98: {  	[sflag:s18] =	ssyncadd.s32 $0xFFFFFFB0  }
0x99: {  	[tilespmem:s23], [sflag:$0x1] =	stream.indirect.gather [hbm4b:s4+s22], $0x80, s3, s22, $0xb8;
	[tilespmem:$0x1E4A0] =	vst v63  }
0x9a: {  	_ =	swait.ge [sflag:s20], $0x2800  }
0x9b: {  	[sflag:s20] =	ssyncset.done $0x0  }
0x9c: {  	[sflag:s20] =	ssyncadd.s32 $0xFFFFD800  }
0x9d: {  	[spmem:s2] =	stream.indirect.scatter.add.f32 [tilespmem:s26], [sflag:$0x3], $0x80, s24, s22, $0xb8;
	[tilespmem:$0x1E4A0] =	vst v63  }
0x9e: {  	_ =	swait.ge [sflag:s18], $0x2800  }
0x9f: {  	[sflag:s18] =	ssyncset.done $0x0  }
0xa0: {  	[sflag:s18] =	ssyncadd.s32 $0xFFFFD800  }
0xa1: {  	_ =	swait.ge [sflag:s19], $0x2800  }
0xa2: {  	[sflag:s19] =	ssyncset.done $0x0  }
0xa3: {  	[sflag:s19] =	ssyncadd.s32 $0xFFFFD800  }
0xa4: {  	[spmem:s2] =	stream.indirect.scatter.add.f32 [tilespmem:s23], [sflag:$0x3], $0x80, s21, s22, $0xb8;
	[tilespmem:$0x1E4A0] =	vst v63  }
0xa5: {  	_ =	swait.ge [sflag:s18], $0x2800  }
0xa6: {  	s28 =	sadd.s32 $0x1, s28;
	[sflag:s18] =	ssyncset.done $0x0  }
0xa7: {  	p0 =	sne.s32 s28, s12;
	[sflag:s18] =	ssyncadd.s32 $0xFFFFD800  }
.Ltmp3:
0xa8: {  	s31 =	sor.u32 $0x1C03, s6;
	[bflag:$0x0] =	sbarrier.arrive $0xFFFF;
	(pc) =	sbr.rel @p0 .LBB2_1-.Ltmp3, $4  }
0xa9: {  	[hbm:s11], [sflag:s31] =	dma.local [spmem:s25], $0x2710  }
0xaa: {  	_ =	swait.ge [sflag:s18], $0x2710  }
0xab: {  	[sflag:s18] =	ssyncset.done $0x0  }
0xac: {  	[sflag:s18] =	ssyncadd.s32 $0xFFFFD8F0  }
0xad: {  	_ =	sfence.sel $0x180000  }
0xae: {  	[bflag:$0x0] =	sbarrier.arrive $0xFFFF  }
0xaf: {  	_ =	strace $0x9000004A  }
0xb0: {  	s0 =	stileid.u32;
	[bflag:$0x2] =	sbarrier.arrive $0xFFFF  }
0xb1: {  	p0 =	sne.s32 s0, $0x0;
	s0 =	rddreg [dreg:$0x4]  }
0xb2: {  	s0 =	sadd.s32 @!p0 $0x100000, s0  }
0xb3: {  	[sflag:s0] =	ssyncadd.tile.s32 @!p0 $0x1;
	_ =	shalt  }
.Lfunc_end2:
_tile_overlayer_lowered:
.L_overlay_start_2:
0xb4: {  	(tag) =	ssettag $0x2  }
0xb5: {  	s0 =	rddreg [dreg:$0x0];
	s2 =	stileid.u32  }
0xb6: {  	s1 =	rddreg [dreg:$0x1];
	p0 =	sne.s32 s2, $0x0  }
0xb7: {  	s3 =	rddreg [dreg:$0x2];
	[bflag:$0x3] =	sbarrier.arrive $0xFFFF;
	s2 =	simm.s32 @!p0 $0x1C03  }
0xb8: {  	[timem:s3], [sflag:s2] =	dma.local @!p0 [hbm:s0], s1  }
0xb9: {  	s0 =	simm.s32 @!p0 $0x3  }
0xba: {  	_ =	swait.ge @!p0 [sflag:s0], s1  }
0xbb: {  	s1 =	ssub.s32 @!p0 $0x0, s1;
	[sflag:s0] =	ssyncset.done @!p0 $0x0  }
0xbc: {  	[sflag:s0] =	ssyncadd.s32 @!p0 s1  }
0xbd: {  	[bflag:$0x3] =	sbarrier.arrive $0xFFFF  }
0xbe: {  	_ =	shalt  }

</sc_bundles>
